<compile_context>
chip_gen: v7x
topology: tpu7x:2x2x1
jax: 0.10.2.dev20260603
libtpu: 0.0.44.dev20260713+nightly
codegen_flags: <defaults>
</compile_context>

<pallas_src>
import functools

import jax
import jax.numpy as jnp
from jax import lax

_GATHER_DN = jax.lax.GatherDimensionNumbers(
    offset_dims=(), collapsed_slice_dims=(0,), start_index_map=(0,)
)


def _vgather(arr, idx):
    return jax.lax.gather(
        arr,
        idx[:, None],
        _GATHER_DN,
        slice_sizes=(1,),
        mode=jax.lax.GatherScatterMode.PROMISE_IN_BOUNDS,
    )
from jax.experimental import pallas as pl
from jax.experimental.pallas import tpu as pltpu
from jax.experimental.pallas import tpu_sc as plsc

N = 1600000
NUM_SEG = 50000
ROWS = 160
COLS = 10000
LANES = 16


def _scores_body(vt_ref, tt_ref, wt_ref, wv_ref, vs_ref, ts_ref):
    vs_ref[...] = jnp.sum(vt_ref[...] * wv_ref[...], axis=1, keepdims=True)

    @pl.when(pl.program_id(0) == 0)
    def _():
        ts_ref[...] = jnp.sum(tt_ref[...] * wt_ref[...], axis=1, keepdims=True)


def _merge_body(ax_ref, ac_ref, b_ref, out_ref, sx_acc, sc_acc):
    i = pl.program_id(0)
    sx = jnp.sum(ax_ref[...], axis=0, keepdims=True)
    sc = jnp.sum(ac_ref[...], axis=0, keepdims=True)

    @pl.when(i == 0)
    def _():
        sx_acc[...] = sx
        sc_acc[...] = sc

    @pl.when(i > 0)
    def _():
        sx_acc[...] += sx
        sc_acc[...] += sc

    @pl.when(i == pl.num_programs(0) - 1)
    def _():
        out_ref[...] = sx_acc[...] / jnp.maximum(sc_acc[...], 1.0) + b_ref[0, 0]


def kernel(type, value, batch, type_table, value_table, W, b):
    t2d = type.reshape(ROWS, COLS)
    v2d = value.reshape(ROWS, COLS)
    b2d = batch.reshape(ROWS, COLS)
    wt = W[0:1, 0:32]
    wv = W[0:1, 32:64]

    tn = type_table.shape[0]
    vn = value_table.shape[0]

    vblk = vn // 10
    vscore, tscore = pl.pallas_call(
        _scores_body,
        grid=(10,),
        in_specs=[
            pl.BlockSpec((vblk, 32), lambda i: (i, 0)),
            pl.BlockSpec((tn, 32), lambda i: (0, 0)),
            pl.BlockSpec((1, 32), lambda i: (0, 0)),
            pl.BlockSpec((1, 32), lambda i: (0, 0)),
        ],
        out_specs=[
            pl.BlockSpec((vblk, 1), lambda i: (i, 0)),
            pl.BlockSpec((tn, 1), lambda i: (0, 0)),
        ],
        out_shape=[
            jax.ShapeDtypeStruct((vn, 1), jnp.float32),
            jax.ShapeDtypeStruct((tn, 1), jnp.float32),
        ],
    )(value_table, type_table, wt, wv)
    vscore = vscore.reshape(vn)
    tscore = tscore.reshape(tn)

    info = plsc.get_sparse_core_info()
    nc, ns = info.num_cores, info.num_subcores
    nw = nc * ns
    rpw = ROWS // nw
    steps = COLS // LANES
    mesh = plsc.VectorSubcoreMesh(core_axis_name="c", subcore_axis_name="s")
    sc_params = pltpu.CompilerParams(needs_layout_passes=False)

    @functools.partial(
        pl.kernel,
        out_type=(
            jax.ShapeDtypeStruct((ROWS, COLS), jnp.int32),
            jax.ShapeDtypeStruct((nw, NUM_SEG), jnp.float32),
            jax.ShapeDtypeStruct((nw, NUM_SEG), jnp.float32),
        ),
        mesh=mesh,
        compiler_params=sc_params,
    )
    def stage_ab(t_hbm, v_hbm, b_hbm, ts_hbm, vs_hbm, x_hbm, ax_hbm, ac_hbm):
        wid = lax.axis_index("s") * nc + lax.axis_index("c")

        def phase_a(ttab, vtab, tbuf, vbuf):
            pltpu.sync_copy(ts_hbm, ttab.at[pl.ds(0, tn)])
            pltpu.sync_copy(vs_hbm, vtab)

            def row_body(j, carry):
                r = wid * rpw + j
                pltpu.sync_copy(t_hbm.at[r], tbuf)
                pltpu.sync_copy(v_hbm.at[r], vbuf)

                def step(t, c):
                    sl = pl.ds(t * LANES, LANES)
                    xs = plsc.load_gather(ttab, [tbuf[sl]]) + plsc.load_gather(
                        vtab, [vbuf[sl]]
                    )
                    vbuf[sl] = plsc.bitcast(xs, jnp.int32)
                    return c

                lax.fori_loop(0, steps, step, 0, unroll=8)
                pltpu.sync_copy(vbuf, x_hbm.at[r])
                return carry

            lax.fori_loop(0, rpw, row_body, 0)

        pl.run_scoped(
            phase_a,
            pltpu.VMEM((1024,), jnp.float32),
            pltpu.VMEM((vn,), jnp.float32),
            pltpu.VMEM((COLS,), jnp.int32),
            pltpu.VMEM((COLS,), jnp.int32),
        )

        def phase_b(accx, accc, bbuf, xbuf):
            zv = jnp.zeros((LANES,), jnp.float32)

            def zbody(i, c):
                sl = pl.ds(i * LANES, LANES)
                accx[sl] = zv
                accc[sl] = zv
                return c

            lax.fori_loop(0, NUM_SEG // LANES, zbody, 0, unroll=8)

            def row_body(j, carry):
                r = wid * rpw + j
                pltpu.sync_copy(b_hbm.at[r], bbuf)
                pltpu.sync_copy(x_hbm.at[r], xbuf)

                def step(t, c):
                    sl = pl.ds(t * LANES, LANES)
                    seg = bbuf[sl]
                    xs = plsc.bitcast(xbuf[sl], jnp.float32)
                    ii = lax.iota(jnp.int32, LANES)
                    segp = _vgather(seg, jnp.maximum(ii - 1, 0))
                    head = (ii == 0) | (seg != segp)
                    csum = plsc.cumsum(xs)
                    start = plsc.cummax(jnp.where(head, ii, 0))
                    base = jnp.where(
                        start > 0,
                        _vgather(csum, jnp.maximum(start - 1, 0)),
                        0.0,
                    )
                    segn = _vgather(seg, jnp.minimum(ii + 1, LANES - 1))
                    last = (ii == LANES - 1) | (seg != segn)
                    cnts = (ii - start + 1).astype(jnp.float32)
                    plsc.addupdate_scatter(accx, [seg], csum - base, mask=last)
                    plsc.addupdate_scatter(accc, [seg], cnts, mask=last)
                    return c

                lax.fori_loop(0, steps, step, 0, unroll=5)
                return carry

            lax.fori_loop(0, rpw, row_body, 0)
            pltpu.sync_copy(accx, ax_hbm.at[wid])
            pltpu.sync_copy(accc, ac_hbm.at[wid])

        pl.run_scoped(
            phase_b,
            pltpu.VMEM((NUM_SEG,), jnp.float32),
            pltpu.VMEM((NUM_SEG,), jnp.float32),
            pltpu.VMEM((COLS,), jnp.int32),
            pltpu.VMEM((COLS,), jnp.int32),
        )

    _, accx, accc = stage_ab(t2d, v2d, b2d, tscore, vscore)

    wblk = 8
    out = pl.pallas_call(
        _merge_body,
        grid=(nw // wblk,),
        in_specs=[
            pl.BlockSpec((wblk, NUM_SEG), lambda i: (i, 0)),
            pl.BlockSpec((wblk, NUM_SEG), lambda i: (i, 0)),
            pl.BlockSpec((1, 1), lambda i: (0, 0)),
        ],
        out_specs=pl.BlockSpec((1, NUM_SEG), lambda i: (0, 0)),
        out_shape=jax.ShapeDtypeStruct((1, NUM_SEG), jnp.float32),
        scratch_shapes=[
            pltpu.VMEM((1, NUM_SEG), jnp.float32),
            pltpu.VMEM((1, NUM_SEG), jnp.float32),
        ],
    )(accx, accc, b.reshape(1, 1))

    return out.reshape(NUM_SEG, 1)

# --- scband reference (transcript-rebuilt; emitter-appended) ---
"""Pipeline reference for scband-mlpmodel-90752658965226 (READ-ONLY COPY).

The authoritative reference and input builder live on the scoring server;
editing this copy changes nothing except your own understanding.
"""

import jax, jax.numpy as jnp
import numpy as np

N = 1600000
NUM_SEGMENTS = 50000
EMB_DIM = 32
TYPE_NUMS = 1000
VALUE_NUMS = 100000


def setup_inputs(seed: int = 0) -> dict:
    key = jax.random.key(seed)
    k1, k2, k3, k4, k5, k6, k7 = jax.random.split(key, 7)
    type_ids = jax.random.randint(k1, (N,), 0, TYPE_NUMS)
    value_ids = jax.random.randint(k2, (N,), 0, VALUE_NUMS)
    batch = jnp.sort(jax.random.randint(k3, (N,), 0, NUM_SEGMENTS))
    type_table = jax.random.normal(k4, (TYPE_NUMS, EMB_DIM), dtype=jnp.float32) * 0.02
    value_table = jax.random.normal(k5, (VALUE_NUMS, EMB_DIM), dtype=jnp.float32) * 0.02
    W = jax.random.normal(k6, (1, 2 * EMB_DIM), dtype=jnp.float32) * (1.0 / np.sqrt(2 * EMB_DIM))
    b = jax.random.normal(k7, (1,), dtype=jnp.float32) * 0.01
    return {"type": type_ids, "value": value_ids, "batch": batch,
            "type_table": type_table, "value_table": value_table, "W": W, "b": b}


def reference(type, value, batch, type_table, value_table, W, b):
    # Embedding lookups (gather)
    h_type = jnp.take(type_table, type, axis=0)      # [N, EMB_DIM]
    h_value = jnp.take(value_table, value, axis=0)   # [N, EMB_DIM]
    h = jnp.concatenate([h_type, h_value], axis=1)   # [N, 2*EMB_DIM]
    # global_mean_pool: segment sum / segment counts
    seg_sum = jax.ops.segment_sum(h, batch, num_segments=NUM_SEGMENTS)
    counts = jax.ops.segment_sum(jnp.ones((h.shape[0],), dtype=h.dtype), batch,
                                 num_segments=NUM_SEGMENTS)
    graph_emb = seg_sum / jnp.maximum(counts, 1.0)[:, None]
    # Linear predict: [NUM_SEGMENTS, 2*EMB_DIM] @ [2*EMB_DIM, 1] + b
    out = graph_emb @ W.T + b
    return out

if __name__ == "__main__":
    import jax
    _d = setup_inputs()
    print(jax.jit(kernel)(*tuple(_d.values())))

</pallas_src>

<mosaic_0001>
#map = affine_map<(d0, d1) -> (0, 0)>
#map1 = affine_map<(d0, d1) -> (0)>
module attributes {stable_mosaic.version = 14 : i64} {
  func.func @stage_ab(%arg0: i32, %arg1: i32, %arg2: memref<160x10000xi32, #tpu.memory_space<hbm>>, %arg3: memref<160x10000xi32, #tpu.memory_space<hbm>>, %arg4: memref<160x10000xi32, #tpu.memory_space<hbm>>, %arg5: memref<1000xf32, #tpu.memory_space<hbm>>, %arg6: memref<100000xf32, #tpu.memory_space<hbm>>, %arg7: memref<160x10000xi32, #tpu.memory_space<hbm>>, %arg8: memref<32x50000xf32, #tpu.memory_space<hbm>>, %arg9: memref<32x50000xf32, #tpu.memory_space<hbm>>) attributes {dimension_semantics = [#tpu.dimension_semantics<core_parallel>, #tpu.dimension_semantics<subcore_parallel>], iteration_bounds = array<i64: 2, 16>, scalar_prefetch = 0 : i64, scratch_operands = 0 : i64, tpu.core_type = #tpu.core_type<sc_vector_subcore>, window_params = [{transform_indices = #map}, {transform_indices = #map}, {transform_indices = #map}, {transform_indices = #map1}, {transform_indices = #map1}, {transform_indices = #map}, {transform_indices = #map}, {transform_indices = #map}]} {
    %mul3A = arith.constant 2 : i32
    %mul3A_0 = arith.muli %arg1, %mul3A : i32
    %add3A = arith.addi %mul3A_0, %arg0 : i32
    "tpu.region"() ({
      %run_scoped3A = memref.alloca() : memref<1024xf32, #tpu.memory_space<vmem>>
      %run_scoped3A_1 = memref.alloca() : memref<100000xf32, #tpu.memory_space<vmem>>
      %run_scoped3A_2 = memref.alloca() : memref<10000xi32, #tpu.memory_space<vmem>>
      %run_scoped3A_3 = memref.alloca() : memref<10000xi32, #tpu.memory_space<vmem>>
      "tpu.region"() ({
        %run_scoped3A_9 = tpu.sem_alloc : memref<!tpu.dma_semaphore, #tpu.memory_space<semaphore_mem>>
        %dma_start3A = arith.constant 0 : i32
        %dma_start3A_10 = tpu.memref_slice %run_scoped3A[%dma_start3A] : memref<1024xf32, #tpu.memory_space<vmem>> -> memref<1000xf32, #tpu.memory_space<vmem>>
        %dma_start3A_11 = arith.constant 0 : i32
        %dma_start3A_12 = tpu.memref_slice %run_scoped3A[%dma_start3A_11] : memref<1024xf32, #tpu.memory_space<vmem>> -> memref<1000xf32, #tpu.memory_space<vmem>>
        tpu.enqueue_dma source(%arg5 : memref<1000xf32, #tpu.memory_space<hbm>>) target(%dma_start3A_12 : memref<1000xf32, #tpu.memory_space<vmem>>) target_semaphore(%run_scoped3A_9 : memref<!tpu.dma_semaphore, #tpu.memory_space<semaphore_mem>>)
        %dma_wait3A = arith.constant 0 : i32
        %dma_wait3A_13 = tpu.memref_slice %run_scoped3A[%dma_wait3A] : memref<1024xf32, #tpu.memory_space<vmem>> -> memref<1000xf32, #tpu.memory_space<vmem>>
        %dma_wait3A_14 = arith.constant 0 : i32
        %dma_wait3A_15 = tpu.memref_slice %run_scoped3A[%dma_wait3A_14] : memref<1024xf32, #tpu.memory_space<vmem>> -> memref<1000xf32, #tpu.memory_space<vmem>>
        tpu.wait_dma2 semaphore(%run_scoped3A_9 : memref<!tpu.dma_semaphore, #tpu.memory_space<semaphore_mem>>) src(%arg5 : memref<1000xf32, #tpu.memory_space<hbm>>) dst(%dma_wait3A_15 : memref<1000xf32, #tpu.memory_space<vmem>>)
        tpu.yield
      }) : () -> ()
      "tpu.region"() ({
        %run_scoped3A_9 = tpu.sem_alloc : memref<!tpu.dma_semaphore, #tpu.memory_space<semaphore_mem>>
        tpu.enqueue_dma source(%arg6 : memref<100000xf32, #tpu.memory_space<hbm>>) target(%run_scoped3A_1 : memref<100000xf32, #tpu.memory_space<vmem>>) target_semaphore(%run_scoped3A_9 : memref<!tpu.dma_semaphore, #tpu.memory_space<semaphore_mem>>)
        tpu.wait_dma2 semaphore(%run_scoped3A_9 : memref<!tpu.dma_semaphore, #tpu.memory_space<semaphore_mem>>) src(%arg6 : memref<100000xf32, #tpu.memory_space<hbm>>) dst(%run_scoped3A_1 : memref<100000xf32, #tpu.memory_space<vmem>>)
        tpu.yield
      }) : () -> ()
      %scan3A = arith.constant 0 : i32
      %scan3A_4 = arith.constant 0 : i32
      %scan3A_5 = arith.constant 5 : i32
      %scan3A_6 = arith.addi %scan3A_4, %scan3A_5 : i32
      %scan3A_7 = arith.constant 1 : i32
      scf.for %scan3A_9 = %scan3A_4 to %scan3A_6 step %scan3A_7  : i32 {
        %mul3A_10 = arith.constant 5 : i32
        %mul3A_11 = arith.muli %add3A, %mul3A_10 : i32
        %add3A_12 = arith.addi %mul3A_11, %scan3A_9 : i32
        "tpu.region"() ({
          %run_scoped3A_29 = tpu.sem_alloc : memref<!tpu.dma_semaphore, #tpu.memory_space<semaphore_mem>>
          %dma_start3A = arith.constant 0 : i32
          %dma_start3A_30 = tpu.memref_slice %arg2[%add3A_12, %dma_start3A] : memref<160x10000xi32, #tpu.memory_space<hbm>> -> memref<1x10000xi32, #tpu.memory_space<hbm>>
          %dma_start3A_31 = tpu.memref_squeeze %dma_start3A_30 : memref<1x10000xi32, #tpu.memory_space<hbm>> -> memref<10000xi32, #tpu.memory_space<hbm>>
          %dma_start3A_32 = arith.constant 0 : i32
          %dma_start3A_33 = tpu.memref_slice %arg2[%add3A_12, %dma_start3A_32] : memref<160x10000xi32, #tpu.memory_space<hbm>> -> memref<1x10000xi32, #tpu.memory_space<hbm>>
          %dma_start3A_34 = tpu.memref_squeeze %dma_start3A_33 : memref<1x10000xi32, #tpu.memory_space<hbm>> -> memref<10000xi32, #tpu.memory_space<hbm>>
          tpu.enqueue_dma source(%dma_start3A_34 : memref<10000xi32, #tpu.memory_space<hbm>>) target(%run_scoped3A_2 : memref<10000xi32, #tpu.memory_space<vmem>>) target_semaphore(%run_scoped3A_29 : memref<!tpu.dma_semaphore, #tpu.memory_space<semaphore_mem>>)
          %dma_wait3A = arith.constant 0 : i32
          %dma_wait3A_35 = tpu.memref_slice %arg2[%add3A_12, %dma_wait3A] : memref<160x10000xi32, #tpu.memory_space<hbm>> -> memref<1x10000xi32, #tpu.memory_space<hbm>>
          %dma_wait3A_36 = tpu.memref_squeeze %dma_wait3A_35 : memref<1x10000xi32, #tpu.memory_space<hbm>> -> memref<10000xi32, #tpu.memory_space<hbm>>
          %dma_wait3A_37 = arith.constant 0 : i32
          %dma_wait3A_38 = tpu.memref_slice %arg2[%add3A_12, %dma_wait3A_37] : memref<160x10000xi32, #tpu.memory_space<hbm>> -> memref<1x10000xi32, #tpu.memory_space<hbm>>
          %dma_wait3A_39 = tpu.memref_squeeze %dma_wait3A_38 : memref<1x10000xi32, #tpu.memory_space<hbm>> -> memref<10000xi32, #tpu.memory_space<hbm>>
          tpu.wait_dma2 semaphore(%run_scoped3A_29 : memref<!tpu.dma_semaphore, #tpu.memory_space<semaphore_mem>>) src(%dma_wait3A_39 : memref<10000xi32, #tpu.memory_space<hbm>>) dst(%run_scoped3A_2 : memref<10000xi32, #tpu.memory_space<vmem>>)
          tpu.yield
        }) : () -> ()
        "tpu.region"() ({
          %run_scoped3A_29 = tpu.sem_alloc : memref<!tpu.dma_semaphore, #tpu.memory_space<semaphore_mem>>
          %dma_start3A = arith.constant 0 : i32
          %dma_start3A_30 = tpu.memref_slice %arg3[%add3A_12, %dma_start3A] : memref<160x10000xi32, #tpu.memory_space<hbm>> -> memref<1x10000xi32, #tpu.memory_space<hbm>>
          %dma_start3A_31 = tpu.memref_squeeze %dma_start3A_30 : memref<1x10000xi32, #tpu.memory_space<hbm>> -> memref<10000xi32, #tpu.memory_space<hbm>>
          %dma_start3A_32 = arith.constant 0 : i32
          %dma_start3A_33 = tpu.memref_slice %arg3[%add3A_12, %dma_start3A_32] : memref<160x10000xi32, #tpu.memory_space<hbm>> -> memref<1x10000xi32, #tpu.memory_space<hbm>>
          %dma_start3A_34 = tpu.memref_squeeze %dma_start3A_33 : memref<1x10000xi32, #tpu.memory_space<hbm>> -> memref<10000xi32, #tpu.memory_space<hbm>>
          tpu.enqueue_dma source(%dma_start3A_34 : memref<10000xi32, #tpu.memory_space<hbm>>) target(%run_scoped3A_3 : memref<10000xi32, #tpu.memory_space<vmem>>) target_semaphore(%run_scoped3A_29 : memref<!tpu.dma_semaphore, #tpu.memory_space<semaphore_mem>>)
          %dma_wait3A = arith.constant 0 : i32
          %dma_wait3A_35 = tpu.memref_slice %arg3[%add3A_12, %dma_wait3A] : memref<160x10000xi32, #tpu.memory_space<hbm>> -> memref<1x10000xi32, #tpu.memory_space<hbm>>
          %dma_wait3A_36 = tpu.memref_squeeze %dma_wait3A_35 : memref<1x10000xi32, #tpu.memory_space<hbm>> -> memref<10000xi32, #tpu.memory_space<hbm>>
          %dma_wait3A_37 = arith.constant 0 : i32
          %dma_wait3A_38 = tpu.memref_slice %arg3[%add3A_12, %dma_wait3A_37] : memref<160x10000xi32, #tpu.memory_space<hbm>> -> memref<1x10000xi32, #tpu.memory_space<hbm>>
          %dma_wait3A_39 = tpu.memref_squeeze %dma_wait3A_38 : memref<1x10000xi32, #tpu.memory_space<hbm>> -> memref<10000xi32, #tpu.memory_space<hbm>>
          tpu.wait_dma2 semaphore(%run_scoped3A_29 : memref<!tpu.dma_semaphore, #tpu.memory_space<semaphore_mem>>) src(%dma_wait3A_39 : memref<10000xi32, #tpu.memory_space<hbm>>) dst(%run_scoped3A_3 : memref<10000xi32, #tpu.memory_space<vmem>>)
          tpu.yield
        }) : () -> ()
        %scan3A_13 = arith.constant 0 : i32
        %scan3A_14 = arith.constant 0 : i32
        %scan3A_15 = arith.constant 624 : i32
        %scan3A_16 = arith.addi %scan3A_14, %scan3A_15 : i32
        %scan3A_17 = arith.constant 8 : i32
        scf.for %scan3A_29 = %scan3A_14 to %scan3A_16 step %scan3A_17  : i32 {
          %mul3A_30 = arith.constant 16 : i32
          %mul3A_31 = arith.muli %scan3A_29, %mul3A_30 : i32
          %get3A_32 = arith.index_cast %mul3A_31 : i32 to index
          %get3A_33 = tpu.vector_load %run_scoped3A_2[%get3A_32] {strides = array<i32>} : memref<10000xi32, #tpu.memory_space<vmem>>, vector<16xi32>,
          %gather3A_34 = tpu.vector_load_idx %run_scoped3A[%get3A_33] : memref<1024xf32, #tpu.memory_space<vmem>>[vector<16xi32>], vector<16xf32>,
          %get3A_35 = arith.index_cast %mul3A_31 : i32 to index
          %get3A_36 = tpu.vector_load %run_scoped3A_3[%get3A_35] {strides = array<i32>} : memref<10000xi32, #tpu.memory_space<vmem>>, vector<16xi32>,
          %gather3A_37 = tpu.vector_load_idx %run_scoped3A_1[%get3A_36] : memref<100000xf32, #tpu.memory_space<vmem>>[vector<16xi32>], vector<16xf32>,
          %add3A_38 = arith.addf %gather3A_34, %gather3A_37 : vector<16xf32>
          %bitcast3A_39 = vector.bitcast %add3A_38 : vector<16xf32> to vector<16xi32>
          %swap3A_40 = arith.index_cast %mul3A_31 : i32 to index
          %swap3A_41 = tpu.vector_load %run_scoped3A_3[%swap3A_40] {strides = array<i32>} : memref<10000xi32, #tpu.memory_space<vmem>>, vector<16xi32>,
          tpu.vector_store %run_scoped3A_3[%swap3A_40], %bitcast3A_39 {strides = array<i32>} : memref<10000xi32, #tpu.memory_space<vmem>>, vector<16xi32>,
          %scan3A_42 = arith.constant 1 : i32
          %scan3A_43 = arith.addi %scan3A_29, %scan3A_42 : i32
          %mul3A_44 = arith.constant 16 : i32
          %mul3A_45 = arith.muli %scan3A_43, %mul3A_44 : i32
          %get3A_46 = arith.index_cast %mul3A_45 : i32 to index
          %get3A_47 = tpu.vector_load %run_scoped3A_2[%get3A_46] {strides = array<i32>} : memref<10000xi32, #tpu.memory_space<vmem>>, vector<16xi32>,
          %gather3A_48 = tpu.vector_load_idx %run_scoped3A[%get3A_47] : memref<1024xf32, #tpu.memory_space<vmem>>[vector<16xi32>], vector<16xf32>,
          %get3A_49 = arith.index_cast %mul3A_45 : i32 to index
          %get3A_50 = tpu.vector_load %run_scoped3A_3[%get3A_49] {strides = array<i32>} : memref<10000xi32, #tpu.memory_space<vmem>>, vector<16xi32>,
          %gather3A_51 = tpu.vector_load_idx %run_scoped3A_1[%get3A_50] : memref<100000xf32, #tpu.memory_space<vmem>>[vector<16xi32>], vector<16xf32>,
          %add3A_52 = arith.addf %gather3A_48, %gather3A_51 : vector<16xf32>
          %bitcast3A_53 = vector.bitcast %add3A_52 : vector<16xf32> to vector<16xi32>
          %swap3A_54 = arith.index_cast %mul3A_45 : i32 to index
          %swap3A_55 = tpu.vector_load %run_scoped3A_3[%swap3A_54] {strides = array<i32>} : memref<10000xi32, #tpu.memory_space<vmem>>, vector<16xi32>,
          tpu.vector_store %run_scoped3A_3[%swap3A_54], %bitcast3A_53 {strides = array<i32>} : memref<10000xi32, #tpu.memory_space<vmem>>, vector<16xi32>,
          %scan3A_56 = arith.constant 2 : i32
          %scan3A_57 = arith.addi %scan3A_29, %scan3A_56 : i32
          %mul3A_58 = arith.constant 16 : i32
          %mul3A_59 = arith.muli %scan3A_57, %mul3A_58 : i32
          %get3A_60 = arith.index_cast %mul3A_59 : i32 to index
          %get3A_61 = tpu.vector_load %run_scoped3A_2[%get3A_60] {strides = array<i32>} : memref<10000xi32, #tpu.memory_space<vmem>>, vector<16xi32>,
          %gather3A_62 = tpu.vector_load_idx %run_scoped3A[%get3A_61] : memref<1024xf32, #tpu.memory_space<vmem>>[vector<16xi32>], vector<16xf32>,
          %get3A_63 = arith.index_cast %mul3A_59 : i32 to index
          %get3A_64 = tpu.vector_load %run_scoped3A_3[%get3A_63] {strides = array<i32>} : memref<10000xi32, #tpu.memory_space<vmem>>, vector<16xi32>,
          %gather3A_65 = tpu.vector_load_idx %run_scoped3A_1[%get3A_64] : memref<100000xf32, #tpu.memory_space<vmem>>[vector<16xi32>], vector<16xf32>,
          %add3A_66 = arith.addf %gather3A_62, %gather3A_65 : vector<16xf32>
          %bitcast3A_67 = vector.bitcast %add3A_66 : vector<16xf32> to vector<16xi32>
          %swap3A_68 = arith.index_cast %mul3A_59 : i32 to index
          %swap3A_69 = tpu.vector_load %run_scoped3A_3[%swap3A_68] {strides = array<i32>} : memref<10000xi32, #tpu.memory_space<vmem>>, vector<16xi32>,
          tpu.vector_store %run_scoped3A_3[%swap3A_68], %bitcast3A_67 {strides = array<i32>} : memref<10000xi32, #tpu.memory_space<vmem>>, vector<16xi32>,
          %scan3A_70 = arith.constant 3 : i32
          %scan3A_71 = arith.addi %scan3A_29, %scan3A_70 : i32
          %mul3A_72 = arith.constant 16 : i32
          %mul3A_73 = arith.muli %scan3A_71, %mul3A_72 : i32
          %get3A_74 = arith.index_cast %mul3A_73 : i32 to index
          %get3A_75 = tpu.vector_load %run_scoped3A_2[%get3A_74] {strides = array<i32>} : memref<10000xi32, #tpu.memory_space<vmem>>, vector<16xi32>,
          %gather3A_76 = tpu.vector_load_idx %run_scoped3A[%get3A_75] : memref<1024xf32, #tpu.memory_space<vmem>>[vector<16xi32>], vector<16xf32>,
          %get3A_77 = arith.index_cast %mul3A_73 : i32 to index
          %get3A_78 = tpu.vector_load %run_scoped3A_3[%get3A_77] {strides = array<i32>} : memref<10000xi32, #tpu.memory_space<vmem>>, vector<16xi32>,
          %gather3A_79 = tpu.vector_load_idx %run_scoped3A_1[%get3A_78] : memref<100000xf32, #tpu.memory_space<vmem>>[vector<16xi32>], vector<16xf32>,
          %add3A_80 = arith.addf %gather3A_76, %gather3A_79 : vector<16xf32>
          %bitcast3A_81 = vector.bitcast %add3A_80 : vector<16xf32> to vector<16xi32>
          %swap3A_82 = arith.index_cast %mul3A_73 : i32 to index
          %swap3A_83 = tpu.vector_load %run_scoped3A_3[%swap3A_82] {strides = array<i32>} : memref<10000xi32, #tpu.memory_space<vmem>>, vector<16xi32>,
          tpu.vector_store %run_scoped3A_3[%swap3A_82], %bitcast3A_81 {strides = array<i32>} : memref<10000xi32, #tpu.memory_space<vmem>>, vector<16xi32>,
          %scan3A_84 = arith.constant 4 : i32
          %scan3A_85 = arith.addi %scan3A_29, %scan3A_84 : i32
          %mul3A_86 = arith.constant 16 : i32
          %mul3A_87 = arith.muli %scan3A_85, %mul3A_86 : i32
          %get3A_88 = arith.index_cast %mul3A_87 : i32 to index
          %get3A_89 = tpu.vector_load %run_scoped3A_2[%get3A_88] {strides = array<i32>} : memref<10000xi32, #tpu.memory_space<vmem>>, vector<16xi32>,
          %gather3A_90 = tpu.vector_load_idx %run_scoped3A[%get3A_89] : memref<1024xf32, #tpu.memory_space<vmem>>[vector<16xi32>], vector<16xf32>,
          %get3A_91 = arith.index_cast %mul3A_87 : i32 to index
          %get3A_92 = tpu.vector_load %run_scoped3A_3[%get3A_91] {strides = array<i32>} : memref<10000xi32, #tpu.memory_space<vmem>>, vector<16xi32>,
          %gather3A_93 = tpu.vector_load_idx %run_scoped3A_1[%get3A_92] : memref<100000xf32, #tpu.memory_space<vmem>>[vector<16xi32>], vector<16xf32>,
          %add3A_94 = arith.addf %gather3A_90, %gather3A_93 : vector<16xf32>
          %bitcast3A_95 = vector.bitcast %add3A_94 : vector<16xf32> to vector<16xi32>
          %swap3A_96 = arith.index_cast %mul3A_87 : i32 to index
          %swap3A_97 = tpu.vector_load %run_scoped3A_3[%swap3A_96] {strides = array<i32>} : memref<10000xi32, #tpu.memory_space<vmem>>, vector<16xi32>,
          tpu.vector_store %run_scoped3A_3[%swap3A_96], %bitcast3A_95 {strides = array<i32>} : memref<10000xi32, #tpu.memory_space<vmem>>, vector<16xi32>,
          %scan3A_98 = arith.constant 5 : i32
          %scan3A_99 = arith.addi %scan3A_29, %scan3A_98 : i32
          %mul3A_100 = arith.constant 16 : i32
          %mul3A_101 = arith.muli %scan3A_99, %mul3A_100 : i32
          %get3A_102 = arith.index_cast %mul3A_101 : i32 to index
          %get3A_103 = tpu.vector_load %run_scoped3A_2[%get3A_102] {strides = array<i32>} : memref<10000xi32, #tpu.memory_space<vmem>>, vector<16xi32>,
          %gather3A_104 = tpu.vector_load_idx %run_scoped3A[%get3A_103] : memref<1024xf32, #tpu.memory_space<vmem>>[vector<16xi32>], vector<16xf32>,
          %get3A_105 = arith.index_cast %mul3A_101 : i32 to index
          %get3A_106 = tpu.vector_load %run_scoped3A_3[%get3A_105] {strides = array<i32>} : memref<10000xi32, #tpu.memory_space<vmem>>, vector<16xi32>,
          %gather3A_107 = tpu.vector_load_idx %run_scoped3A_1[%get3A_106] : memref<100000xf32, #tpu.memory_space<vmem>>[vector<16xi32>], vector<16xf32>,
          %add3A_108 = arith.addf %gather3A_104, %gather3A_107 : vector<16xf32>
          %bitcast3A_109 = vector.bitcast %add3A_108 : vector<16xf32> to vector<16xi32>
          %swap3A_110 = arith.index_cast %mul3A_101 : i32 to index
          %swap3A_111 = tpu.vector_load %run_scoped3A_3[%swap3A_110] {strides = array<i32>} : memref<10000xi32, #tpu.memory_space<vmem>>, vector<16xi32>,
          tpu.vector_store %run_scoped3A_3[%swap3A_110], %bitcast3A_109 {strides = array<i32>} : memref<10000xi32, #tpu.memory_space<vmem>>, vector<16xi32>,
          %scan3A_112 = arith.constant 6 : i32
          %scan3A_113 = arith.addi %scan3A_29, %scan3A_112 : i32
          %mul3A_114 = arith.constant 16 : i32
          %mul3A_115 = arith.muli %scan3A_113, %mul3A_114 : i32
          %get3A_116 = arith.index_cast %mul3A_115 : i32 to index
          %get3A_117 = tpu.vector_load %run_scoped3A_2[%get3A_116] {strides = array<i32>} : memref<10000xi32, #tpu.memory_space<vmem>>, vector<16xi32>,
          %gather3A_118 = tpu.vector_load_idx %run_scoped3A[%get3A_117] : memref<1024xf32, #tpu.memory_space<vmem>>[vector<16xi32>], vector<16xf32>,
          %get3A_119 = arith.index_cast %mul3A_115 : i32 to index
          %get3A_120 = tpu.vector_load %run_scoped3A_3[%get3A_119] {strides = array<i32>} : memref<10000xi32, #tpu.memory_space<vmem>>, vector<16xi32>,
          %gather3A_121 = tpu.vector_load_idx %run_scoped3A_1[%get3A_120] : memref<100000xf32, #tpu.memory_space<vmem>>[vector<16xi32>], vector<16xf32>,
          %add3A_122 = arith.addf %gather3A_118, %gather3A_121 : vector<16xf32>
          %bitcast3A_123 = vector.bitcast %add3A_122 : vector<16xf32> to vector<16xi32>
          %swap3A_124 = arith.index_cast %mul3A_115 : i32 to index
          %swap3A_125 = tpu.vector_load %run_scoped3A_3[%swap3A_124] {strides = array<i32>} : memref<10000xi32, #tpu.memory_space<vmem>>, vector<16xi32>,
          tpu.vector_store %run_scoped3A_3[%swap3A_124], %bitcast3A_123 {strides = array<i32>} : memref<10000xi32, #tpu.memory_space<vmem>>, vector<16xi32>,
          %scan3A_126 = arith.constant 7 : i32
          %scan3A_127 = arith.addi %scan3A_29, %scan3A_126 : i32
          %mul3A_128 = arith.constant 16 : i32
          %mul3A_129 = arith.muli %scan3A_127, %mul3A_128 : i32
          %get3A_130 = arith.index_cast %mul3A_129 : i32 to index
          %get3A_131 = tpu.vector_load %run_scoped3A_2[%get3A_130] {strides = array<i32>} : memref<10000xi32, #tpu.memory_space<vmem>>, vector<16xi32>,
          %gather3A_132 = tpu.vector_load_idx %run_scoped3A[%get3A_131] : memref<1024xf32, #tpu.memory_space<vmem>>[vector<16xi32>], vector<16xf32>,
          %get3A_133 = arith.index_cast %mul3A_129 : i32 to index
          %get3A_134 = tpu.vector_load %run_scoped3A_3[%get3A_133] {strides = array<i32>} : memref<10000xi32, #tpu.memory_space<vmem>>, vector<16xi32>,
          %gather3A_135 = tpu.vector_load_idx %run_scoped3A_1[%get3A_134] : memref<100000xf32, #tpu.memory_space<vmem>>[vector<16xi32>], vector<16xf32>,
          %add3A_136 = arith.addf %gather3A_132, %gather3A_135 : vector<16xf32>
          %bitcast3A_137 = vector.bitcast %add3A_136 : vector<16xf32> to vector<16xi32>
          %swap3A_138 = arith.index_cast %mul3A_129 : i32 to index
          %swap3A_139 = tpu.vector_load %run_scoped3A_3[%swap3A_138] {strides = array<i32>} : memref<10000xi32, #tpu.memory_space<vmem>>, vector<16xi32>,
          tpu.vector_store %run_scoped3A_3[%swap3A_138], %bitcast3A_137 {strides = array<i32>} : memref<10000xi32, #tpu.memory_space<vmem>>, vector<16xi32>,
        }
        %scan3A_18 = arith.constant 624 : i32
        %scan3A_19 = arith.addi %scan3A_14, %scan3A_18 : i32
        %mul3A_20 = arith.constant 16 : i32
        %mul3A_21 = arith.muli %scan3A_19, %mul3A_20 : i32
        %get3A = arith.index_cast %mul3A_21 : i32 to index
        %get3A_22 = tpu.vector_load %run_scoped3A_2[%get3A] {strides = array<i32>} : memref<10000xi32, #tpu.memory_space<vmem>>, vector<16xi32>,
        %gather3A = tpu.vector_load_idx %run_scoped3A[%get3A_22] : memref<1024xf32, #tpu.memory_space<vmem>>[vector<16xi32>], vector<16xf32>,
        %get3A_23 = arith.index_cast %mul3A_21 : i32 to index
        %get3A_24 = tpu.vector_load %run_scoped3A_3[%get3A_23] {strides = array<i32>} : memref<10000xi32, #tpu.memory_space<vmem>>, vector<16xi32>,
        %gather3A_25 = tpu.vector_load_idx %run_scoped3A_1[%get3A_24] : memref<100000xf32, #tpu.memory_space<vmem>>[vector<16xi32>], vector<16xf32>,
        %add3A_26 = arith.addf %gather3A, %gather3A_25 : vector<16xf32>
        %bitcast3A = vector.bitcast %add3A_26 : vector<16xf32> to vector<16xi32>
        %swap3A = arith.index_cast %mul3A_21 : i32 to index
        %swap3A_27 = tpu.vector_load %run_scoped3A_3[%swap3A] {strides = array<i32>} : memref<10000xi32, #tpu.memory_space<vmem>>, vector<16xi32>,
        tpu.vector_store %run_scoped3A_3[%swap3A], %bitcast3A {strides = array<i32>} : memref<10000xi32, #tpu.memory_space<vmem>>, vector<16xi32>,
        %scan3A_28 = arith.constant 625 : i32
        "tpu.region"() ({
          %run_scoped3A_29 = tpu.sem_alloc : memref<!tpu.dma_semaphore, #tpu.memory_space<semaphore_mem>>
          %dma_start3A = arith.constant 0 : i32
          %dma_start3A_30 = tpu.memref_slice %arg7[%add3A_12, %dma_start3A] : memref<160x10000xi32, #tpu.memory_space<hbm>> -> memref<1x10000xi32, #tpu.memory_space<hbm>>
          %dma_start3A_31 = tpu.memref_squeeze %dma_start3A_30 : memref<1x10000xi32, #tpu.memory_space<hbm>> -> memref<10000xi32, #tpu.memory_space<hbm>>
          %dma_start3A_32 = arith.constant 0 : i32
          %dma_start3A_33 = tpu.memref_slice %arg7[%add3A_12, %dma_start3A_32] : memref<160x10000xi32, #tpu.memory_space<hbm>> -> memref<1x10000xi32, #tpu.memory_space<hbm>>
          %dma_start3A_34 = tpu.memref_squeeze %dma_start3A_33 : memref<1x10000xi32, #tpu.memory_space<hbm>> -> memref<10000xi32, #tpu.memory_space<hbm>>
          tpu.enqueue_dma source(%run_scoped3A_3 : memref<10000xi32, #tpu.memory_space<vmem>>) target(%dma_start3A_34 : memref<10000xi32, #tpu.memory_space<hbm>>) target_semaphore(%run_scoped3A_29 : memref<!tpu.dma_semaphore, #tpu.memory_space<semaphore_mem>>)
          %dma_wait3A = arith.constant 0 : i32
          %dma_wait3A_35 = tpu.memref_slice %arg7[%add3A_12, %dma_wait3A] : memref<160x10000xi32, #tpu.memory_space<hbm>> -> memref<1x10000xi32, #tpu.memory_space<hbm>>
          %dma_wait3A_36 = tpu.memref_squeeze %dma_wait3A_35 : memref<1x10000xi32, #tpu.memory_space<hbm>> -> memref<10000xi32, #tpu.memory_space<hbm>>
          %dma_wait3A_37 = arith.constant 0 : i32
          %dma_wait3A_38 = tpu.memref_slice %arg7[%add3A_12, %dma_wait3A_37] : memref<160x10000xi32, #tpu.memory_space<hbm>> -> memref<1x10000xi32, #tpu.memory_space<hbm>>
          %dma_wait3A_39 = tpu.memref_squeeze %dma_wait3A_38 : memref<1x10000xi32, #tpu.memory_space<hbm>> -> memref<10000xi32, #tpu.memory_space<hbm>>
          tpu.wait_dma2 semaphore(%run_scoped3A_29 : memref<!tpu.dma_semaphore, #tpu.memory_space<semaphore_mem>>) src(%run_scoped3A_3 : memref<10000xi32, #tpu.memory_space<vmem>>) dst(%dma_wait3A_39 : memref<10000xi32, #tpu.memory_space<hbm>>)
          tpu.yield
        }) : () -> ()
      }
      %scan3A_8 = arith.constant 5 : i32
      tpu.yield
    }) : () -> ()
    "tpu.region"() ({
      %run_scoped3A = memref.alloca() : memref<50000xf32, #tpu.memory_space<vmem>>
      %run_scoped3A_1 = memref.alloca() : memref<50000xf32, #tpu.memory_space<vmem>>
      %run_scoped3A_2 = memref.alloca() : memref<10000xi32, #tpu.memory_space<vmem>>
      %run_scoped3A_3 = memref.alloca() : memref<10000xi32, #tpu.memory_space<vmem>>
      %broadcast_in_dim3A = arith.constant 0.000000e+00 : f32
      %broadcast_in_dim3A_4 = vector.broadcast %broadcast_in_dim3A : f32 to vector<16xf32>
      %scan3A = arith.constant 0 : i32
      %scan3A_5 = arith.constant 0 : i32
      %scan3A_6 = arith.constant 3120 : i32
      %scan3A_7 = arith.addi %scan3A_5, %scan3A_6 : i32
      %scan3A_8 = arith.constant 8 : i32
      scf.for %scan3A_55 = %scan3A_5 to %scan3A_7 step %scan3A_8  : i32 {
        %mul3A_56 = arith.constant 16 : i32
        %mul3A_57 = arith.muli %scan3A_55, %mul3A_56 : i32
        %swap3A_58 = arith.index_cast %mul3A_57 : i32 to index
        %swap3A_59 = tpu.vector_load %run_scoped3A[%swap3A_58] {strides = array<i32>} : memref<50000xf32, #tpu.memory_space<vmem>>, vector<16xf32>,
        tpu.vector_store %run_scoped3A[%swap3A_58], %broadcast_in_dim3A_4 {strides = array<i32>} : memref<50000xf32, #tpu.memory_space<vmem>>, vector<16xf32>,
        %swap3A_60 = arith.index_cast %mul3A_57 : i32 to index
        %swap3A_61 = tpu.vector_load %run_scoped3A_1[%swap3A_60] {strides = array<i32>} : memref<50000xf32, #tpu.memory_space<vmem>>, vector<16xf32>,
        tpu.vector_store %run_scoped3A_1[%swap3A_60], %broadcast_in_dim3A_4 {strides = array<i32>} : memref<50000xf32, #tpu.memory_space<vmem>>, vector<16xf32>,
        %scan3A_62 = arith.constant 1 : i32
        %scan3A_63 = arith.addi %scan3A_55, %scan3A_62 : i32
        %mul3A_64 = arith.constant 16 : i32
        %mul3A_65 = arith.muli %scan3A_63, %mul3A_64 : i32
        %swap3A_66 = arith.index_cast %mul3A_65 : i32 to index
        %swap3A_67 = tpu.vector_load %run_scoped3A[%swap3A_66] {strides = array<i32>} : memref<50000xf32, #tpu.memory_space<vmem>>, vector<16xf32>,
        tpu.vector_store %run_scoped3A[%swap3A_66], %broadcast_in_dim3A_4 {strides = array<i32>} : memref<50000xf32, #tpu.memory_space<vmem>>, vector<16xf32>,
        %swap3A_68 = arith.index_cast %mul3A_65 : i32 to index
        %swap3A_69 = tpu.vector_load %run_scoped3A_1[%swap3A_68] {strides = array<i32>} : memref<50000xf32, #tpu.memory_space<vmem>>, vector<16xf32>,
        tpu.vector_store %run_scoped3A_1[%swap3A_68], %broadcast_in_dim3A_4 {strides = array<i32>} : memref<50000xf32, #tpu.memory_space<vmem>>, vector<16xf32>,
        %scan3A_70 = arith.constant 2 : i32
        %scan3A_71 = arith.addi %scan3A_55, %scan3A_70 : i32
        %mul3A_72 = arith.constant 16 : i32
        %mul3A_73 = arith.muli %scan3A_71, %mul3A_72 : i32
        %swap3A_74 = arith.index_cast %mul3A_73 : i32 to index
        %swap3A_75 = tpu.vector_load %run_scoped3A[%swap3A_74] {strides = array<i32>} : memref<50000xf32, #tpu.memory_space<vmem>>, vector<16xf32>,
        tpu.vector_store %run_scoped3A[%swap3A_74], %broadcast_in_dim3A_4 {strides = array<i32>} : memref<50000xf32, #tpu.memory_space<vmem>>, vector<16xf32>,
        %swap3A_76 = arith.index_cast %mul3A_73 : i32 to index
        %swap3A_77 = tpu.vector_load %run_scoped3A_1[%swap3A_76] {strides = array<i32>} : memref<50000xf32, #tpu.memory_space<vmem>>, vector<16xf32>,
        tpu.vector_store %run_scoped3A_1[%swap3A_76], %broadcast_in_dim3A_4 {strides = array<i32>} : memref<50000xf32, #tpu.memory_space<vmem>>, vector<16xf32>,
        %scan3A_78 = arith.constant 3 : i32
        %scan3A_79 = arith.addi %scan3A_55, %scan3A_78 : i32
        %mul3A_80 = arith.constant 16 : i32
        %mul3A_81 = arith.muli %scan3A_79, %mul3A_80 : i32
        %swap3A_82 = arith.index_cast %mul3A_81 : i32 to index
        %swap3A_83 = tpu.vector_load %run_scoped3A[%swap3A_82] {strides = array<i32>} : memref<50000xf32, #tpu.memory_space<vmem>>, vector<16xf32>,
        tpu.vector_store %run_scoped3A[%swap3A_82], %broadcast_in_dim3A_4 {strides = array<i32>} : memref<50000xf32, #tpu.memory_space<vmem>>, vector<16xf32>,
        %swap3A_84 = arith.index_cast %mul3A_81 : i32 to index
        %swap3A_85 = tpu.vector_load %run_scoped3A_1[%swap3A_84] {strides = array<i32>} : memref<50000xf32, #tpu.memory_space<vmem>>, vector<16xf32>,
        tpu.vector_store %run_scoped3A_1[%swap3A_84], %broadcast_in_dim3A_4 {strides = array<i32>} : memref<50000xf32, #tpu.memory_space<vmem>>, vector<16xf32>,
        %scan3A_86 = arith.constant 4 : i32
        %scan3A_87 = arith.addi %scan3A_55, %scan3A_86 : i32
        %mul3A_88 = arith.constant 16 : i32
        %mul3A_89 = arith.muli %scan3A_87, %mul3A_88 : i32
        %swap3A_90 = arith.index_cast %mul3A_89 : i32 to index
        %swap3A_91 = tpu.vector_load %run_scoped3A[%swap3A_90] {strides = array<i32>} : memref<50000xf32, #tpu.memory_space<vmem>>, vector<16xf32>,
        tpu.vector_store %run_scoped3A[%swap3A_90], %broadcast_in_dim3A_4 {strides = array<i32>} : memref<50000xf32, #tpu.memory_space<vmem>>, vector<16xf32>,
        %swap3A_92 = arith.index_cast %mul3A_89 : i32 to index
        %swap3A_93 = tpu.vector_load %run_scoped3A_1[%swap3A_92] {strides = array<i32>} : memref<50000xf32, #tpu.memory_space<vmem>>, vector<16xf32>,
        tpu.vector_store %run_scoped3A_1[%swap3A_92], %broadcast_in_dim3A_4 {strides = array<i32>} : memref<50000xf32, #tpu.memory_space<vmem>>, vector<16xf32>,
        %scan3A_94 = arith.constant 5 : i32
        %scan3A_95 = arith.addi %scan3A_55, %scan3A_94 : i32
        %mul3A_96 = arith.constant 16 : i32
        %mul3A_97 = arith.muli %scan3A_95, %mul3A_96 : i32
        %swap3A_98 = arith.index_cast %mul3A_97 : i32 to index
        %swap3A_99 = tpu.vector_load %run_scoped3A[%swap3A_98] {strides = array<i32>} : memref<50000xf32, #tpu.memory_space<vmem>>, vector<16xf32>,
        tpu.vector_store %run_scoped3A[%swap3A_98], %broadcast_in_dim3A_4 {strides = array<i32>} : memref<50000xf32, #tpu.memory_space<vmem>>, vector<16xf32>,
        %swap3A_100 = arith.index_cast %mul3A_97 : i32 to index
        %swap3A_101 = tpu.vector_load %run_scoped3A_1[%swap3A_100] {strides = array<i32>} : memref<50000xf32, #tpu.memory_space<vmem>>, vector<16xf32>,
        tpu.vector_store %run_scoped3A_1[%swap3A_100], %broadcast_in_dim3A_4 {strides = array<i32>} : memref<50000xf32, #tpu.memory_space<vmem>>, vector<16xf32>,
        %scan3A_102 = arith.constant 6 : i32
        %scan3A_103 = arith.addi %scan3A_55, %scan3A_102 : i32
        %mul3A_104 = arith.constant 16 : i32
        %mul3A_105 = arith.muli %scan3A_103, %mul3A_104 : i32
        %swap3A_106 = arith.index_cast %mul3A_105 : i32 to index
        %swap3A_107 = tpu.vector_load %run_scoped3A[%swap3A_106] {strides = array<i32>} : memref<50000xf32, #tpu.memory_space<vmem>>, vector<16xf32>,
        tpu.vector_store %run_scoped3A[%swap3A_106], %broadcast_in_dim3A_4 {strides = array<i32>} : memref<50000xf32, #tpu.memory_space<vmem>>, vector<16xf32>,
        %swap3A_108 = arith.index_cast %mul3A_105 : i32 to index
        %swap3A_109 = tpu.vector_load %run_scoped3A_1[%swap3A_108] {strides = array<i32>} : memref<50000xf32, #tpu.memory_space<vmem>>, vector<16xf32>,
        tpu.vector_store %run_scoped3A_1[%swap3A_108], %broadcast_in_dim3A_4 {strides = array<i32>} : memref<50000xf32, #tpu.memory_space<vmem>>, vector<16xf32>,
        %scan3A_110 = arith.constant 7 : i32
        %scan3A_111 = arith.addi %scan3A_55, %scan3A_110 : i32
        %mul3A_112 = arith.constant 16 : i32
        %mul3A_113 = arith.muli %scan3A_111, %mul3A_112 : i32
        %swap3A_114 = arith.index_cast %mul3A_113 : i32 to index
        %swap3A_115 = tpu.vector_load %run_scoped3A[%swap3A_114] {strides = array<i32>} : memref<50000xf32, #tpu.memory_space<vmem>>, vector<16xf32>,
        tpu.vector_store %run_scoped3A[%swap3A_114], %broadcast_in_dim3A_4 {strides = array<i32>} : memref<50000xf32, #tpu.memory_space<vmem>>, vector<16xf32>,
        %swap3A_116 = arith.index_cast %mul3A_113 : i32 to index
        %swap3A_117 = tpu.vector_load %run_scoped3A_1[%swap3A_116] {strides = array<i32>} : memref<50000xf32, #tpu.memory_space<vmem>>, vector<16xf32>,
        tpu.vector_store %run_scoped3A_1[%swap3A_116], %broadcast_in_dim3A_4 {strides = array<i32>} : memref<50000xf32, #tpu.memory_space<vmem>>, vector<16xf32>,
      }
      %scan3A_9 = arith.constant 3120 : i32
      %scan3A_10 = arith.addi %scan3A_5, %scan3A_9 : i32
      %mul3A_11 = arith.constant 16 : i32
      %mul3A_12 = arith.muli %scan3A_10, %mul3A_11 : i32
      %swap3A = arith.index_cast %mul3A_12 : i32 to index
      %swap3A_13 = tpu.vector_load %run_scoped3A[%swap3A] {strides = array<i32>} : memref<50000xf32, #tpu.memory_space<vmem>>, vector<16xf32>,
      tpu.vector_store %run_scoped3A[%swap3A], %broadcast_in_dim3A_4 {strides = array<i32>} : memref<50000xf32, #tpu.memory_space<vmem>>, vector<16xf32>,
      %swap3A_14 = arith.index_cast %mul3A_12 : i32 to index
      %swap3A_15 = tpu.vector_load %run_scoped3A_1[%swap3A_14] {strides = array<i32>} : memref<50000xf32, #tpu.memory_space<vmem>>, vector<16xf32>,
      tpu.vector_store %run_scoped3A_1[%swap3A_14], %broadcast_in_dim3A_4 {strides = array<i32>} : memref<50000xf32, #tpu.memory_space<vmem>>, vector<16xf32>,
      %scan3A_16 = arith.constant 3121 : i32
      %scan3A_17 = arith.addi %scan3A_5, %scan3A_16 : i32
      %mul3A_18 = arith.constant 16 : i32
      %mul3A_19 = arith.muli %scan3A_17, %mul3A_18 : i32
      %swap3A_20 = arith.index_cast %mul3A_19 : i32 to index
      %swap3A_21 = tpu.vector_load %run_scoped3A[%swap3A_20] {strides = array<i32>} : memref<50000xf32, #tpu.memory_space<vmem>>, vector<16xf32>,
      tpu.vector_store %run_scoped3A[%swap3A_20], %broadcast_in_dim3A_4 {strides = array<i32>} : memref<50000xf32, #tpu.memory_space<vmem>>, vector<16xf32>,
      %swap3A_22 = arith.index_cast %mul3A_19 : i32 to index
      %swap3A_23 = tpu.vector_load %run_scoped3A_1[%swap3A_22] {strides = array<i32>} : memref<50000xf32, #tpu.memory_space<vmem>>, vector<16xf32>,
      tpu.vector_store %run_scoped3A_1[%swap3A_22], %broadcast_in_dim3A_4 {strides = array<i32>} : memref<50000xf32, #tpu.memory_space<vmem>>, vector<16xf32>,
      %scan3A_24 = arith.constant 3122 : i32
      %scan3A_25 = arith.addi %scan3A_5, %scan3A_24 : i32
      %mul3A_26 = arith.constant 16 : i32
      %mul3A_27 = arith.muli %scan3A_25, %mul3A_26 : i32
      %swap3A_28 = arith.index_cast %mul3A_27 : i32 to index
      %swap3A_29 = tpu.vector_load %run_scoped3A[%swap3A_28] {strides = array<i32>} : memref<50000xf32, #tpu.memory_space<vmem>>, vector<16xf32>,
      tpu.vector_store %run_scoped3A[%swap3A_28], %broadcast_in_dim3A_4 {strides = array<i32>} : memref<50000xf32, #tpu.memory_space<vmem>>, vector<16xf32>,
      %swap3A_30 = arith.index_cast %mul3A_27 : i32 to index
      %swap3A_31 = tpu.vector_load %run_scoped3A_1[%swap3A_30] {strides = array<i32>} : memref<50000xf32, #tpu.memory_space<vmem>>, vector<16xf32>,
      tpu.vector_store %run_scoped3A_1[%swap3A_30], %broadcast_in_dim3A_4 {strides = array<i32>} : memref<50000xf32, #tpu.memory_space<vmem>>, vector<16xf32>,
      %scan3A_32 = arith.constant 3123 : i32
      %scan3A_33 = arith.addi %scan3A_5, %scan3A_32 : i32
      %mul3A_34 = arith.constant 16 : i32
      %mul3A_35 = arith.muli %scan3A_33, %mul3A_34 : i32
      %swap3A_36 = arith.index_cast %mul3A_35 : i32 to index
      %swap3A_37 = tpu.vector_load %run_scoped3A[%swap3A_36] {strides = array<i32>} : memref<50000xf32, #tpu.memory_space<vmem>>, vector<16xf32>,
      tpu.vector_store %run_scoped3A[%swap3A_36], %broadcast_in_dim3A_4 {strides = array<i32>} : memref<50000xf32, #tpu.memory_space<vmem>>, vector<16xf32>,
      %swap3A_38 = arith.index_cast %mul3A_35 : i32 to index
      %swap3A_39 = tpu.vector_load %run_scoped3A_1[%swap3A_38] {strides = array<i32>} : memref<50000xf32, #tpu.memory_space<vmem>>, vector<16xf32>,
      tpu.vector_store %run_scoped3A_1[%swap3A_38], %broadcast_in_dim3A_4 {strides = array<i32>} : memref<50000xf32, #tpu.memory_space<vmem>>, vector<16xf32>,
      %scan3A_40 = arith.constant 3124 : i32
      %scan3A_41 = arith.addi %scan3A_5, %scan3A_40 : i32
      %mul3A_42 = arith.constant 16 : i32
      %mul3A_43 = arith.muli %scan3A_41, %mul3A_42 : i32
      %swap3A_44 = arith.index_cast %mul3A_43 : i32 to index
      %swap3A_45 = tpu.vector_load %run_scoped3A[%swap3A_44] {strides = array<i32>} : memref<50000xf32, #tpu.memory_space<vmem>>, vector<16xf32>,
      tpu.vector_store %run_scoped3A[%swap3A_44], %broadcast_in_dim3A_4 {strides = array<i32>} : memref<50000xf32, #tpu.memory_space<vmem>>, vector<16xf32>,
      %swap3A_46 = arith.index_cast %mul3A_43 : i32 to index
      %swap3A_47 = tpu.vector_load %run_scoped3A_1[%swap3A_46] {strides = array<i32>} : memref<50000xf32, #tpu.memory_space<vmem>>, vector<16xf32>,
      tpu.vector_store %run_scoped3A_1[%swap3A_46], %broadcast_in_dim3A_4 {strides = array<i32>} : memref<50000xf32, #tpu.memory_space<vmem>>, vector<16xf32>,
      %scan3A_48 = arith.constant 3125 : i32
      %scan3A_49 = arith.constant 0 : i32
      %scan3A_50 = arith.constant 0 : i32
      %scan3A_51 = arith.constant 5 : i32
      %scan3A_52 = arith.addi %scan3A_50, %scan3A_51 : i32
      %scan3A_53 = arith.constant 1 : i32
      scf.for %scan3A_55 = %scan3A_50 to %scan3A_52 step %scan3A_53  : i32 {
        %mul3A_56 = arith.constant 5 : i32
        %mul3A_57 = arith.muli %add3A, %mul3A_56 : i32
        %add3A_58 = arith.addi %mul3A_57, %scan3A_55 : i32
        "tpu.region"() ({
          %run_scoped3A_65 = tpu.sem_alloc : memref<!tpu.dma_semaphore, #tpu.memory_space<semaphore_mem>>
          %dma_start3A = arith.constant 0 : i32
          %dma_start3A_66 = tpu.memref_slice %arg4[%add3A_58, %dma_start3A] : memref<160x10000xi32, #tpu.memory_space<hbm>> -> memref<1x10000xi32, #tpu.memory_space<hbm>>
          %dma_start3A_67 = tpu.memref_squeeze %dma_start3A_66 : memref<1x10000xi32, #tpu.memory_space<hbm>> -> memref<10000xi32, #tpu.memory_space<hbm>>
          %dma_start3A_68 = arith.constant 0 : i32
          %dma_start3A_69 = tpu.memref_slice %arg4[%add3A_58, %dma_start3A_68] : memref<160x10000xi32, #tpu.memory_space<hbm>> -> memref<1x10000xi32, #tpu.memory_space<hbm>>
          %dma_start3A_70 = tpu.memref_squeeze %dma_start3A_69 : memref<1x10000xi32, #tpu.memory_space<hbm>> -> memref<10000xi32, #tpu.memory_space<hbm>>
          tpu.enqueue_dma source(%dma_start3A_70 : memref<10000xi32, #tpu.memory_space<hbm>>) target(%run_scoped3A_2 : memref<10000xi32, #tpu.memory_space<vmem>>) target_semaphore(%run_scoped3A_65 : memref<!tpu.dma_semaphore, #tpu.memory_space<semaphore_mem>>)
          %dma_wait3A = arith.constant 0 : i32
          %dma_wait3A_71 = tpu.memref_slice %arg4[%add3A_58, %dma_wait3A] : memref<160x10000xi32, #tpu.memory_space<hbm>> -> memref<1x10000xi32, #tpu.memory_space<hbm>>
          %dma_wait3A_72 = tpu.memref_squeeze %dma_wait3A_71 : memref<1x10000xi32, #tpu.memory_space<hbm>> -> memref<10000xi32, #tpu.memory_space<hbm>>
          %dma_wait3A_73 = arith.constant 0 : i32
          %dma_wait3A_74 = tpu.memref_slice %arg4[%add3A_58, %dma_wait3A_73] : memref<160x10000xi32, #tpu.memory_space<hbm>> -> memref<1x10000xi32, #tpu.memory_space<hbm>>
          %dma_wait3A_75 = tpu.memref_squeeze %dma_wait3A_74 : memref<1x10000xi32, #tpu.memory_space<hbm>> -> memref<10000xi32, #tpu.memory_space<hbm>>
          tpu.wait_dma2 semaphore(%run_scoped3A_65 : memref<!tpu.dma_semaphore, #tpu.memory_space<semaphore_mem>>) src(%dma_wait3A_75 : memref<10000xi32, #tpu.memory_space<hbm>>) dst(%run_scoped3A_2 : memref<10000xi32, #tpu.memory_space<vmem>>)
          tpu.yield
        }) : () -> ()
        "tpu.region"() ({
          %run_scoped3A_65 = tpu.sem_alloc : memref<!tpu.dma_semaphore, #tpu.memory_space<semaphore_mem>>
          %dma_start3A = arith.constant 0 : i32
          %dma_start3A_66 = tpu.memref_slice %arg7[%add3A_58, %dma_start3A] : memref<160x10000xi32, #tpu.memory_space<hbm>> -> memref<1x10000xi32, #tpu.memory_space<hbm>>
          %dma_start3A_67 = tpu.memref_squeeze %dma_start3A_66 : memref<1x10000xi32, #tpu.memory_space<hbm>> -> memref<10000xi32, #tpu.memory_space<hbm>>
          %dma_start3A_68 = arith.constant 0 : i32
          %dma_start3A_69 = tpu.memref_slice %arg7[%add3A_58, %dma_start3A_68] : memref<160x10000xi32, #tpu.memory_space<hbm>> -> memref<1x10000xi32, #tpu.memory_space<hbm>>
          %dma_start3A_70 = tpu.memref_squeeze %dma_start3A_69 : memref<1x10000xi32, #tpu.memory_space<hbm>> -> memref<10000xi32, #tpu.memory_space<hbm>>
          tpu.enqueue_dma source(%dma_start3A_70 : memref<10000xi32, #tpu.memory_space<hbm>>) target(%run_scoped3A_3 : memref<10000xi32, #tpu.memory_space<vmem>>) target_semaphore(%run_scoped3A_65 : memref<!tpu.dma_semaphore, #tpu.memory_space<semaphore_mem>>)
          %dma_wait3A = arith.constant 0 : i32
          %dma_wait3A_71 = tpu.memref_slice %arg7[%add3A_58, %dma_wait3A] : memref<160x10000xi32, #tpu.memory_space<hbm>> -> memref<1x10000xi32, #tpu.memory_space<hbm>>
          %dma_wait3A_72 = tpu.memref_squeeze %dma_wait3A_71 : memref<1x10000xi32, #tpu.memory_space<hbm>> -> memref<10000xi32, #tpu.memory_space<hbm>>
          %dma_wait3A_73 = arith.constant 0 : i32
          %dma_wait3A_74 = tpu.memref_slice %arg7[%add3A_58, %dma_wait3A_73] : memref<160x10000xi32, #tpu.memory_space<hbm>> -> memref<1x10000xi32, #tpu.memory_space<hbm>>
          %dma_wait3A_75 = tpu.memref_squeeze %dma_wait3A_74 : memref<1x10000xi32, #tpu.memory_space<hbm>> -> memref<10000xi32, #tpu.memory_space<hbm>>
          tpu.wait_dma2 semaphore(%run_scoped3A_65 : memref<!tpu.dma_semaphore, #tpu.memory_space<semaphore_mem>>) src(%dma_wait3A_75 : memref<10000xi32, #tpu.memory_space<hbm>>) dst(%run_scoped3A_3 : memref<10000xi32, #tpu.memory_space<vmem>>)
          tpu.yield
        }) : () -> ()
        %scan3A_59 = arith.constant 0 : i32
        %scan3A_60 = arith.constant 0 : i32
        %scan3A_61 = arith.constant 625 : i32
        %scan3A_62 = arith.addi %scan3A_60, %scan3A_61 : i32
        %scan3A_63 = arith.constant 5 : i32
        scf.for %scan3A_65 = %scan3A_60 to %scan3A_62 step %scan3A_63  : i32 {
          %mul3A_66 = arith.constant 16 : i32
          %mul3A_67 = arith.muli %scan3A_65, %mul3A_66 : i32
          %get3A = arith.index_cast %mul3A_67 : i32 to index
          %get3A_68 = tpu.vector_load %run_scoped3A_2[%get3A] {strides = array<i32>} : memref<10000xi32, #tpu.memory_space<vmem>>, vector<16xi32>,
          %get3A_69 = arith.index_cast %mul3A_67 : i32 to index
          %get3A_70 = tpu.vector_load %run_scoped3A_3[%get3A_69] {strides = array<i32>} : memref<10000xi32, #tpu.memory_space<vmem>>, vector<16xi32>,
          %bitcast3A = vector.bitcast %get3A_70 : vector<16xi32> to vector<16xf32>
          %iota3A = tpu.iota {dimensions = array<i32: 0>} : vector<16xi32>
          %sub3A = arith.constant 1 : i32
          %sub3A_71 = vector.broadcast %sub3A : i32 to vector<16xi32>
          %sub3A_72 = arith.subi %iota3A, %sub3A_71 : vector<16xi32>
          %max3A = arith.constant 0 : i32
          %max3A_73 = vector.broadcast %max3A : i32 to vector<16xi32>
          %max3A_74 = arith.maxsi %sub3A_72, %max3A_73 : vector<16xi32>
          %broadcast_in_dim3A_75 = vector.shape_cast %max3A_74 : vector<16xi32> to vector<16x1xi32>
          %gather3A = vector.shape_cast %broadcast_in_dim3A_75 : vector<16x1xi32> to vector<16xi32>
          %gather3A_76 = tpu.dynamic_gather %get3A_68[%gather3A] in [0] : vector<16xi32>, vector<16xi32> -> vector<16xi32>
          %eq3A = arith.constant 0 : i32
          %eq3A_77 = vector.broadcast %eq3A : i32 to vector<16xi32>
          %eq3A_78 = arith.cmpi eq, %iota3A, %eq3A_77 : vector<16xi32>
          %ne3A = arith.cmpi ne, %get3A_68, %gather3A_76 : vector<16xi32>
          %or3A = arith.ori %eq3A_78, %ne3A : vector<16xi1>
          %broadcast_in_dim3A_79 = arith.constant true
          %broadcast_in_dim3A_80 = vector.broadcast %broadcast_in_dim3A_79 : i1 to vector<16xi1>
          %masked_cumsum3A = tpu.scan <sum>, %bitcast3A masked %broadcast_in_dim3A_80 : vector<16xf32>, vector<16xi1> -> vector<16xf32>
          %jit3A = arith.constant 0 : i32
          %broadcast_in_dim3A_81 = vector.broadcast %jit3A : i32 to vector<16xi32>
          %select_n3A = arith.select %or3A, %iota3A, %broadcast_in_dim3A_81 : vector<16xi1>, vector<16xi32>
          %broadcast_in_dim3A_82 = arith.constant true
          %broadcast_in_dim3A_83 = vector.broadcast %broadcast_in_dim3A_82 : i1 to vector<16xi1>
          %masked_cummax3A = arith.constant -2147483648 : i32
          %masked_cummax3A_84 = vector.broadcast %masked_cummax3A : i32 to vector<16xi32>
          %masked_cummax3A_85 = arith.xori %select_n3A, %masked_cummax3A_84 : vector<16xi32>
          %masked_cummax3A_86 = tpu.scan <max>, %masked_cummax3A_85 masked %broadcast_in_dim3A_83 : vector<16xi32>, vector<16xi1> -> vector<16xi32>
          %masked_cummax3A_87 = arith.xori %masked_cummax3A_86, %masked_cummax3A_84 : vector<16xi32>
          %gt3A = arith.constant 0 : i32
          %gt3A_88 = vector.broadcast %gt3A : i32 to vector<16xi32>
          %gt3A_89 = arith.cmpi sgt, %masked_cummax3A_87, %gt3A_88 : vector<16xi32>
          %sub3A_90 = arith.constant 1 : i32
          %sub3A_91 = vector.broadcast %sub3A_90 : i32 to vector<16xi32>
          %sub3A_92 = arith.subi %masked_cummax3A_87, %sub3A_91 : vector<16xi32>
          %max3A_93 = arith.constant 0 : i32
          %max3A_94 = vector.broadcast %max3A_93 : i32 to vector<16xi32>
          %max3A_95 = arith.maxsi %sub3A_92, %max3A_94 : vector<16xi32>
          %broadcast_in_dim3A_96 = vector.shape_cast %max3A_95 : vector<16xi32> to vector<16x1xi32>
          %gather3A_97 = vector.shape_cast %broadcast_in_dim3A_96 : vector<16x1xi32> to vector<16xi32>
          %gather3A_98 = tpu.dynamic_gather %masked_cumsum3A[%gather3A_97] in [0] : vector<16xf32>, vector<16xi32> -> vector<16xf32>
          %jit3A_99 = arith.constant 0.000000e+00 : f32
          %broadcast_in_dim3A_100 = vector.broadcast %jit3A_99 : f32 to vector<16xf32>
          %select_n3A_101 = arith.select %gt3A_89, %gather3A_98, %broadcast_in_dim3A_100 : vector<16xi1>, vector<16xf32>
          %add3A_102 = arith.constant 1 : i32
          %add3A_103 = vector.broadcast %add3A_102 : i32 to vector<16xi32>
          %add3A_104 = arith.addi %iota3A, %add3A_103 : vector<16xi32>
          %min3A = arith.constant 15 : i32
          %min3A_105 = vector.broadcast %min3A : i32 to vector<16xi32>
          %min3A_106 = arith.minsi %add3A_104, %min3A_105 : vector<16xi32>
          %broadcast_in_dim3A_107 = vector.shape_cast %min3A_106 : vector<16xi32> to vector<16x1xi32>
          %gather3A_108 = vector.shape_cast %broadcast_in_dim3A_107 : vector<16x1xi32> to vector<16xi32>
          %gather3A_109 = tpu.dynamic_gather %get3A_68[%gather3A_108] in [0] : vector<16xi32>, vector<16xi32> -> vector<16xi32>
          %eq3A_110 = arith.constant 15 : i32
          %eq3A_111 = vector.broadcast %eq3A_110 : i32 to vector<16xi32>
          %eq3A_112 = arith.cmpi eq, %iota3A, %eq3A_111 : vector<16xi32>
          %ne3A_113 = arith.cmpi ne, %get3A_68, %gather3A_109 : vector<16xi32>
          %or3A_114 = arith.ori %eq3A_112, %ne3A_113 : vector<16xi1>
          %sub3A_115 = arith.subi %iota3A, %masked_cummax3A_87 : vector<16xi32>
          %add3A_116 = arith.constant 1 : i32
          %add3A_117 = vector.broadcast %add3A_116 : i32 to vector<16xi32>
          %add3A_118 = arith.addi %sub3A_115, %add3A_117 : vector<16xi32>
          %convert_element_type3A = arith.sitofp %add3A_118 : vector<16xi32> to vector<16xf32>
          %sub3A_119 = arith.subf %masked_cumsum3A, %select_n3A_101 : vector<16xf32>
          tpu.vector_store_idx %run_scoped3A[%get3A_68], %sub3A_119 masked %or3A_114 {add = true} : memref<50000xf32, #tpu.memory_space<vmem>>[vector<16xi32>], vector<16xf32>, vector<16xi1>
          tpu.vector_store_idx %run_scoped3A_1[%get3A_68], %convert_element_type3A masked %or3A_114 {add = true} : memref<50000xf32, #tpu.memory_space<vmem>>[vector<16xi32>], vector<16xf32>, vector<16xi1>
          %scan3A_120 = arith.constant 1 : i32
          %scan3A_121 = arith.addi %scan3A_65, %scan3A_120 : i32
          %mul3A_122 = arith.constant 16 : i32
          %mul3A_123 = arith.muli %scan3A_121, %mul3A_122 : i32
          %get3A_124 = arith.index_cast %mul3A_123 : i32 to index
          %get3A_125 = tpu.vector_load %run_scoped3A_2[%get3A_124] {strides = array<i32>} : memref<10000xi32, #tpu.memory_space<vmem>>, vector<16xi32>,
          %get3A_126 = arith.index_cast %mul3A_123 : i32 to index
          %get3A_127 = tpu.vector_load %run_scoped3A_3[%get3A_126] {strides = array<i32>} : memref<10000xi32, #tpu.memory_space<vmem>>, vector<16xi32>,
          %bitcast3A_128 = vector.bitcast %get3A_127 : vector<16xi32> to vector<16xf32>
          %iota3A_129 = tpu.iota {dimensions = array<i32: 0>} : vector<16xi32>
          %sub3A_130 = arith.constant 1 : i32
          %sub3A_131 = vector.broadcast %sub3A_130 : i32 to vector<16xi32>
          %sub3A_132 = arith.subi %iota3A_129, %sub3A_131 : vector<16xi32>
          %max3A_133 = arith.constant 0 : i32
          %max3A_134 = vector.broadcast %max3A_133 : i32 to vector<16xi32>
          %max3A_135 = arith.maxsi %sub3A_132, %max3A_134 : vector<16xi32>
          %broadcast_in_dim3A_136 = vector.shape_cast %max3A_135 : vector<16xi32> to vector<16x1xi32>
          %gather3A_137 = vector.shape_cast %broadcast_in_dim3A_136 : vector<16x1xi32> to vector<16xi32>
          %gather3A_138 = tpu.dynamic_gather %get3A_125[%gather3A_137] in [0] : vector<16xi32>, vector<16xi32> -> vector<16xi32>
          %eq3A_139 = arith.constant 0 : i32
          %eq3A_140 = vector.broadcast %eq3A_139 : i32 to vector<16xi32>
          %eq3A_141 = arith.cmpi eq, %iota3A_129, %eq3A_140 : vector<16xi32>
          %ne3A_142 = arith.cmpi ne, %get3A_125, %gather3A_138 : vector<16xi32>
          %or3A_143 = arith.ori %eq3A_141, %ne3A_142 : vector<16xi1>
          %broadcast_in_dim3A_144 = arith.constant true
          %broadcast_in_dim3A_145 = vector.broadcast %broadcast_in_dim3A_144 : i1 to vector<16xi1>
          %masked_cumsum3A_146 = tpu.scan <sum>, %bitcast3A_128 masked %broadcast_in_dim3A_145 : vector<16xf32>, vector<16xi1> -> vector<16xf32>
          %jit3A_147 = arith.constant 0 : i32
          %broadcast_in_dim3A_148 = vector.broadcast %jit3A_147 : i32 to vector<16xi32>
          %select_n3A_149 = arith.select %or3A_143, %iota3A_129, %broadcast_in_dim3A_148 : vector<16xi1>, vector<16xi32>
          %broadcast_in_dim3A_150 = arith.constant true
          %broadcast_in_dim3A_151 = vector.broadcast %broadcast_in_dim3A_150 : i1 to vector<16xi1>
          %masked_cummax3A_152 = arith.constant -2147483648 : i32
          %masked_cummax3A_153 = vector.broadcast %masked_cummax3A_152 : i32 to vector<16xi32>
          %masked_cummax3A_154 = arith.xori %select_n3A_149, %masked_cummax3A_153 : vector<16xi32>
          %masked_cummax3A_155 = tpu.scan <max>, %masked_cummax3A_154 masked %broadcast_in_dim3A_151 : vector<16xi32>, vector<16xi1> -> vector<16xi32>
          %masked_cummax3A_156 = arith.xori %masked_cummax3A_155, %masked_cummax3A_153 : vector<16xi32>
          %gt3A_157 = arith.constant 0 : i32
          %gt3A_158 = vector.broadcast %gt3A_157 : i32 to vector<16xi32>
          %gt3A_159 = arith.cmpi sgt, %masked_cummax3A_156, %gt3A_158 : vector<16xi32>
          %sub3A_160 = arith.constant 1 : i32
          %sub3A_161 = vector.broadcast %sub3A_160 : i32 to vector<16xi32>
          %sub3A_162 = arith.subi %masked_cummax3A_156, %sub3A_161 : vector<16xi32>
          %max3A_163 = arith.constant 0 : i32
          %max3A_164 = vector.broadcast %max3A_163 : i32 to vector<16xi32>
          %max3A_165 = arith.maxsi %sub3A_162, %max3A_164 : vector<16xi32>
          %broadcast_in_dim3A_166 = vector.shape_cast %max3A_165 : vector<16xi32> to vector<16x1xi32>
          %gather3A_167 = vector.shape_cast %broadcast_in_dim3A_166 : vector<16x1xi32> to vector<16xi32>
          %gather3A_168 = tpu.dynamic_gather %masked_cumsum3A_146[%gather3A_167] in [0] : vector<16xf32>, vector<16xi32> -> vector<16xf32>
          %jit3A_169 = arith.constant 0.000000e+00 : f32
          %broadcast_in_dim3A_170 = vector.broadcast %jit3A_169 : f32 to vector<16xf32>
          %select_n3A_171 = arith.select %gt3A_159, %gather3A_168, %broadcast_in_dim3A_170 : vector<16xi1>, vector<16xf32>
          %add3A_172 = arith.constant 1 : i32
          %add3A_173 = vector.broadcast %add3A_172 : i32 to vector<16xi32>
          %add3A_174 = arith.addi %iota3A_129, %add3A_173 : vector<16xi32>
          %min3A_175 = arith.constant 15 : i32
          %min3A_176 = vector.broadcast %min3A_175 : i32 to vector<16xi32>
          %min3A_177 = arith.minsi %add3A_174, %min3A_176 : vector<16xi32>
          %broadcast_in_dim3A_178 = vector.shape_cast %min3A_177 : vector<16xi32> to vector<16x1xi32>
          %gather3A_179 = vector.shape_cast %broadcast_in_dim3A_178 : vector<16x1xi32> to vector<16xi32>
          %gather3A_180 = tpu.dynamic_gather %get3A_125[%gather3A_179] in [0] : vector<16xi32>, vector<16xi32> -> vector<16xi32>
          %eq3A_181 = arith.constant 15 : i32
          %eq3A_182 = vector.broadcast %eq3A_181 : i32 to vector<16xi32>
          %eq3A_183 = arith.cmpi eq, %iota3A_129, %eq3A_182 : vector<16xi32>
          %ne3A_184 = arith.cmpi ne, %get3A_125, %gather3A_180 : vector<16xi32>
          %or3A_185 = arith.ori %eq3A_183, %ne3A_184 : vector<16xi1>
          %sub3A_186 = arith.subi %iota3A_129, %masked_cummax3A_156 : vector<16xi32>
          %add3A_187 = arith.constant 1 : i32
          %add3A_188 = vector.broadcast %add3A_187 : i32 to vector<16xi32>
          %add3A_189 = arith.addi %sub3A_186, %add3A_188 : vector<16xi32>
          %convert_element_type3A_190 = arith.sitofp %add3A_189 : vector<16xi32> to vector<16xf32>
          %sub3A_191 = arith.subf %masked_cumsum3A_146, %select_n3A_171 : vector<16xf32>
          tpu.vector_store_idx %run_scoped3A[%get3A_125], %sub3A_191 masked %or3A_185 {add = true} : memref<50000xf32, #tpu.memory_space<vmem>>[vector<16xi32>], vector<16xf32>, vector<16xi1>
          tpu.vector_store_idx %run_scoped3A_1[%get3A_125], %convert_element_type3A_190 masked %or3A_185 {add = true} : memref<50000xf32, #tpu.memory_space<vmem>>[vector<16xi32>], vector<16xf32>, vector<16xi1>
          %scan3A_192 = arith.constant 2 : i32
          %scan3A_193 = arith.addi %scan3A_65, %scan3A_192 : i32
          %mul3A_194 = arith.constant 16 : i32
          %mul3A_195 = arith.muli %scan3A_193, %mul3A_194 : i32
          %get3A_196 = arith.index_cast %mul3A_195 : i32 to index
          %get3A_197 = tpu.vector_load %run_scoped3A_2[%get3A_196] {strides = array<i32>} : memref<10000xi32, #tpu.memory_space<vmem>>, vector<16xi32>,
          %get3A_198 = arith.index_cast %mul3A_195 : i32 to index
          %get3A_199 = tpu.vector_load %run_scoped3A_3[%get3A_198] {strides = array<i32>} : memref<10000xi32, #tpu.memory_space<vmem>>, vector<16xi32>,
          %bitcast3A_200 = vector.bitcast %get3A_199 : vector<16xi32> to vector<16xf32>
          %iota3A_201 = tpu.iota {dimensions = array<i32: 0>} : vector<16xi32>
          %sub3A_202 = arith.constant 1 : i32
          %sub3A_203 = vector.broadcast %sub3A_202 : i32 to vector<16xi32>
          %sub3A_204 = arith.subi %iota3A_201, %sub3A_203 : vector<16xi32>
          %max3A_205 = arith.constant 0 : i32
          %max3A_206 = vector.broadcast %max3A_205 : i32 to vector<16xi32>
          %max3A_207 = arith.maxsi %sub3A_204, %max3A_206 : vector<16xi32>
          %broadcast_in_dim3A_208 = vector.shape_cast %max3A_207 : vector<16xi32> to vector<16x1xi32>
          %gather3A_209 = vector.shape_cast %broadcast_in_dim3A_208 : vector<16x1xi32> to vector<16xi32>
          %gather3A_210 = tpu.dynamic_gather %get3A_197[%gather3A_209] in [0] : vector<16xi32>, vector<16xi32> -> vector<16xi32>
          %eq3A_211 = arith.constant 0 : i32
          %eq3A_212 = vector.broadcast %eq3A_211 : i32 to vector<16xi32>
          %eq3A_213 = arith.cmpi eq, %iota3A_201, %eq3A_212 : vector<16xi32>
          %ne3A_214 = arith.cmpi ne, %get3A_197, %gather3A_210 : vector<16xi32>
          %or3A_215 = arith.ori %eq3A_213, %ne3A_214 : vector<16xi1>
          %broadcast_in_dim3A_216 = arith.constant true
          %broadcast_in_dim3A_217 = vector.broadcast %broadcast_in_dim3A_216 : i1 to vector<16xi1>
          %masked_cumsum3A_218 = tpu.scan <sum>, %bitcast3A_200 masked %broadcast_in_dim3A_217 : vector<16xf32>, vector<16xi1> -> vector<16xf32>
          %jit3A_219 = arith.constant 0 : i32
          %broadcast_in_dim3A_220 = vector.broadcast %jit3A_219 : i32 to vector<16xi32>
          %select_n3A_221 = arith.select %or3A_215, %iota3A_201, %broadcast_in_dim3A_220 : vector<16xi1>, vector<16xi32>
          %broadcast_in_dim3A_222 = arith.constant true
          %broadcast_in_dim3A_223 = vector.broadcast %broadcast_in_dim3A_222 : i1 to vector<16xi1>
          %masked_cummax3A_224 = arith.constant -2147483648 : i32
          %masked_cummax3A_225 = vector.broadcast %masked_cummax3A_224 : i32 to vector<16xi32>
          %masked_cummax3A_226 = arith.xori %select_n3A_221, %masked_cummax3A_225 : vector<16xi32>
          %masked_cummax3A_227 = tpu.scan <max>, %masked_cummax3A_226 masked %broadcast_in_dim3A_223 : vector<16xi32>, vector<16xi1> -> vector<16xi32>
          %masked_cummax3A_228 = arith.xori %masked_cummax3A_227, %masked_cummax3A_225 : vector<16xi32>
          %gt3A_229 = arith.constant 0 : i32
          %gt3A_230 = vector.broadcast %gt3A_229 : i32 to vector<16xi32>
          %gt3A_231 = arith.cmpi sgt, %masked_cummax3A_228, %gt3A_230 : vector<16xi32>
          %sub3A_232 = arith.constant 1 : i32
          %sub3A_233 = vector.broadcast %sub3A_232 : i32 to vector<16xi32>
          %sub3A_234 = arith.subi %masked_cummax3A_228, %sub3A_233 : vector<16xi32>
          %max3A_235 = arith.constant 0 : i32
          %max3A_236 = vector.broadcast %max3A_235 : i32 to vector<16xi32>
          %max3A_237 = arith.maxsi %sub3A_234, %max3A_236 : vector<16xi32>
          %broadcast_in_dim3A_238 = vector.shape_cast %max3A_237 : vector<16xi32> to vector<16x1xi32>
          %gather3A_239 = vector.shape_cast %broadcast_in_dim3A_238 : vector<16x1xi32> to vector<16xi32>
          %gather3A_240 = tpu.dynamic_gather %masked_cumsum3A_218[%gather3A_239] in [0] : vector<16xf32>, vector<16xi32> -> vector<16xf32>
          %jit3A_241 = arith.constant 0.000000e+00 : f32
          %broadcast_in_dim3A_242 = vector.broadcast %jit3A_241 : f32 to vector<16xf32>
          %select_n3A_243 = arith.select %gt3A_231, %gather3A_240, %broadcast_in_dim3A_242 : vector<16xi1>, vector<16xf32>
          %add3A_244 = arith.constant 1 : i32
          %add3A_245 = vector.broadcast %add3A_244 : i32 to vector<16xi32>
          %add3A_246 = arith.addi %iota3A_201, %add3A_245 : vector<16xi32>
          %min3A_247 = arith.constant 15 : i32
          %min3A_248 = vector.broadcast %min3A_247 : i32 to vector<16xi32>
          %min3A_249 = arith.minsi %add3A_246, %min3A_248 : vector<16xi32>
          %broadcast_in_dim3A_250 = vector.shape_cast %min3A_249 : vector<16xi32> to vector<16x1xi32>
          %gather3A_251 = vector.shape_cast %broadcast_in_dim3A_250 : vector<16x1xi32> to vector<16xi32>
          %gather3A_252 = tpu.dynamic_gather %get3A_197[%gather3A_251] in [0] : vector<16xi32>, vector<16xi32> -> vector<16xi32>
          %eq3A_253 = arith.constant 15 : i32
          %eq3A_254 = vector.broadcast %eq3A_253 : i32 to vector<16xi32>
          %eq3A_255 = arith.cmpi eq, %iota3A_201, %eq3A_254 : vector<16xi32>
          %ne3A_256 = arith.cmpi ne, %get3A_197, %gather3A_252 : vector<16xi32>
          %or3A_257 = arith.ori %eq3A_255, %ne3A_256 : vector<16xi1>
          %sub3A_258 = arith.subi %iota3A_201, %masked_cummax3A_228 : vector<16xi32>
          %add3A_259 = arith.constant 1 : i32
          %add3A_260 = vector.broadcast %add3A_259 : i32 to vector<16xi32>
          %add3A_261 = arith.addi %sub3A_258, %add3A_260 : vector<16xi32>
          %convert_element_type3A_262 = arith.sitofp %add3A_261 : vector<16xi32> to vector<16xf32>
          %sub3A_263 = arith.subf %masked_cumsum3A_218, %select_n3A_243 : vector<16xf32>
          tpu.vector_store_idx %run_scoped3A[%get3A_197], %sub3A_263 masked %or3A_257 {add = true} : memref<50000xf32, #tpu.memory_space<vmem>>[vector<16xi32>], vector<16xf32>, vector<16xi1>
          tpu.vector_store_idx %run_scoped3A_1[%get3A_197], %convert_element_type3A_262 masked %or3A_257 {add = true} : memref<50000xf32, #tpu.memory_space<vmem>>[vector<16xi32>], vector<16xf32>, vector<16xi1>
          %scan3A_264 = arith.constant 3 : i32
          %scan3A_265 = arith.addi %scan3A_65, %scan3A_264 : i32
          %mul3A_266 = arith.constant 16 : i32
          %mul3A_267 = arith.muli %scan3A_265, %mul3A_266 : i32
          %get3A_268 = arith.index_cast %mul3A_267 : i32 to index
          %get3A_269 = tpu.vector_load %run_scoped3A_2[%get3A_268] {strides = array<i32>} : memref<10000xi32, #tpu.memory_space<vmem>>, vector<16xi32>,
          %get3A_270 = arith.index_cast %mul3A_267 : i32 to index
          %get3A_271 = tpu.vector_load %run_scoped3A_3[%get3A_270] {strides = array<i32>} : memref<10000xi32, #tpu.memory_space<vmem>>, vector<16xi32>,
          %bitcast3A_272 = vector.bitcast %get3A_271 : vector<16xi32> to vector<16xf32>
          %iota3A_273 = tpu.iota {dimensions = array<i32: 0>} : vector<16xi32>
          %sub3A_274 = arith.constant 1 : i32
          %sub3A_275 = vector.broadcast %sub3A_274 : i32 to vector<16xi32>
          %sub3A_276 = arith.subi %iota3A_273, %sub3A_275 : vector<16xi32>
          %max3A_277 = arith.constant 0 : i32
          %max3A_278 = vector.broadcast %max3A_277 : i32 to vector<16xi32>
          %max3A_279 = arith.maxsi %sub3A_276, %max3A_278 : vector<16xi32>
          %broadcast_in_dim3A_280 = vector.shape_cast %max3A_279 : vector<16xi32> to vector<16x1xi32>
          %gather3A_281 = vector.shape_cast %broadcast_in_dim3A_280 : vector<16x1xi32> to vector<16xi32>
          %gather3A_282 = tpu.dynamic_gather %get3A_269[%gather3A_281] in [0] : vector<16xi32>, vector<16xi32> -> vector<16xi32>
          %eq3A_283 = arith.constant 0 : i32
          %eq3A_284 = vector.broadcast %eq3A_283 : i32 to vector<16xi32>
          %eq3A_285 = arith.cmpi eq, %iota3A_273, %eq3A_284 : vector<16xi32>
          %ne3A_286 = arith.cmpi ne, %get3A_269, %gather3A_282 : vector<16xi32>
          %or3A_287 = arith.ori %eq3A_285, %ne3A_286 : vector<16xi1>
          %broadcast_in_dim3A_288 = arith.constant true
          %broadcast_in_dim3A_289 = vector.broadcast %broadcast_in_dim3A_288 : i1 to vector<16xi1>
          %masked_cumsum3A_290 = tpu.scan <sum>, %bitcast3A_272 masked %broadcast_in_dim3A_289 : vector<16xf32>, vector<16xi1> -> vector<16xf32>
          %jit3A_291 = arith.constant 0 : i32
          %broadcast_in_dim3A_292 = vector.broadcast %jit3A_291 : i32 to vector<16xi32>
          %select_n3A_293 = arith.select %or3A_287, %iota3A_273, %broadcast_in_dim3A_292 : vector<16xi1>, vector<16xi32>
          %broadcast_in_dim3A_294 = arith.constant true
          %broadcast_in_dim3A_295 = vector.broadcast %broadcast_in_dim3A_294 : i1 to vector<16xi1>
          %masked_cummax3A_296 = arith.constant -2147483648 : i32
          %masked_cummax3A_297 = vector.broadcast %masked_cummax3A_296 : i32 to vector<16xi32>
          %masked_cummax3A_298 = arith.xori %select_n3A_293, %masked_cummax3A_297 : vector<16xi32>
          %masked_cummax3A_299 = tpu.scan <max>, %masked_cummax3A_298 masked %broadcast_in_dim3A_295 : vector<16xi32>, vector<16xi1> -> vector<16xi32>
          %masked_cummax3A_300 = arith.xori %masked_cummax3A_299, %masked_cummax3A_297 : vector<16xi32>
          %gt3A_301 = arith.constant 0 : i32
          %gt3A_302 = vector.broadcast %gt3A_301 : i32 to vector<16xi32>
          %gt3A_303 = arith.cmpi sgt, %masked_cummax3A_300, %gt3A_302 : vector<16xi32>
          %sub3A_304 = arith.constant 1 : i32
          %sub3A_305 = vector.broadcast %sub3A_304 : i32 to vector<16xi32>
          %sub3A_306 = arith.subi %masked_cummax3A_300, %sub3A_305 : vector<16xi32>
          %max3A_307 = arith.constant 0 : i32
          %max3A_308 = vector.broadcast %max3A_307 : i32 to vector<16xi32>
          %max3A_309 = arith.maxsi %sub3A_306, %max3A_308 : vector<16xi32>
          %broadcast_in_dim3A_310 = vector.shape_cast %max3A_309 : vector<16xi32> to vector<16x1xi32>
          %gather3A_311 = vector.shape_cast %broadcast_in_dim3A_310 : vector<16x1xi32> to vector<16xi32>
          %gather3A_312 = tpu.dynamic_gather %masked_cumsum3A_290[%gather3A_311] in [0] : vector<16xf32>, vector<16xi32> -> vector<16xf32>
          %jit3A_313 = arith.constant 0.000000e+00 : f32
          %broadcast_in_dim3A_314 = vector.broadcast %jit3A_313 : f32 to vector<16xf32>
          %select_n3A_315 = arith.select %gt3A_303, %gather3A_312, %broadcast_in_dim3A_314 : vector<16xi1>, vector<16xf32>
          %add3A_316 = arith.constant 1 : i32
          %add3A_317 = vector.broadcast %add3A_316 : i32 to vector<16xi32>
          %add3A_318 = arith.addi %iota3A_273, %add3A_317 : vector<16xi32>
          %min3A_319 = arith.constant 15 : i32
          %min3A_320 = vector.broadcast %min3A_319 : i32 to vector<16xi32>
          %min3A_321 = arith.minsi %add3A_318, %min3A_320 : vector<16xi32>
          %broadcast_in_dim3A_322 = vector.shape_cast %min3A_321 : vector<16xi32> to vector<16x1xi32>
          %gather3A_323 = vector.shape_cast %broadcast_in_dim3A_322 : vector<16x1xi32> to vector<16xi32>
          %gather3A_324 = tpu.dynamic_gather %get3A_269[%gather3A_323] in [0] : vector<16xi32>, vector<16xi32> -> vector<16xi32>
          %eq3A_325 = arith.constant 15 : i32
          %eq3A_326 = vector.broadcast %eq3A_325 : i32 to vector<16xi32>
          %eq3A_327 = arith.cmpi eq, %iota3A_273, %eq3A_326 : vector<16xi32>
          %ne3A_328 = arith.cmpi ne, %get3A_269, %gather3A_324 : vector<16xi32>
          %or3A_329 = arith.ori %eq3A_327, %ne3A_328 : vector<16xi1>
          %sub3A_330 = arith.subi %iota3A_273, %masked_cummax3A_300 : vector<16xi32>
          %add3A_331 = arith.constant 1 : i32
          %add3A_332 = vector.broadcast %add3A_331 : i32 to vector<16xi32>
          %add3A_333 = arith.addi %sub3A_330, %add3A_332 : vector<16xi32>
          %convert_element_type3A_334 = arith.sitofp %add3A_333 : vector<16xi32> to vector<16xf32>
          %sub3A_335 = arith.subf %masked_cumsum3A_290, %select_n3A_315 : vector<16xf32>
          tpu.vector_store_idx %run_scoped3A[%get3A_269], %sub3A_335 masked %or3A_329 {add = true} : memref<50000xf32, #tpu.memory_space<vmem>>[vector<16xi32>], vector<16xf32>, vector<16xi1>
          tpu.vector_store_idx %run_scoped3A_1[%get3A_269], %convert_element_type3A_334 masked %or3A_329 {add = true} : memref<50000xf32, #tpu.memory_space<vmem>>[vector<16xi32>], vector<16xf32>, vector<16xi1>
          %scan3A_336 = arith.constant 4 : i32
          %scan3A_337 = arith.addi %scan3A_65, %scan3A_336 : i32
          %mul3A_338 = arith.constant 16 : i32
          %mul3A_339 = arith.muli %scan3A_337, %mul3A_338 : i32
          %get3A_340 = arith.index_cast %mul3A_339 : i32 to index
          %get3A_341 = tpu.vector_load %run_scoped3A_2[%get3A_340] {strides = array<i32>} : memref<10000xi32, #tpu.memory_space<vmem>>, vector<16xi32>,
          %get3A_342 = arith.index_cast %mul3A_339 : i32 to index
          %get3A_343 = tpu.vector_load %run_scoped3A_3[%get3A_342] {strides = array<i32>} : memref<10000xi32, #tpu.memory_space<vmem>>, vector<16xi32>,
          %bitcast3A_344 = vector.bitcast %get3A_343 : vector<16xi32> to vector<16xf32>
          %iota3A_345 = tpu.iota {dimensions = array<i32: 0>} : vector<16xi32>
          %sub3A_346 = arith.constant 1 : i32
          %sub3A_347 = vector.broadcast %sub3A_346 : i32 to vector<16xi32>
          %sub3A_348 = arith.subi %iota3A_345, %sub3A_347 : vector<16xi32>
          %max3A_349 = arith.constant 0 : i32
          %max3A_350 = vector.broadcast %max3A_349 : i32 to vector<16xi32>
          %max3A_351 = arith.maxsi %sub3A_348, %max3A_350 : vector<16xi32>
          %broadcast_in_dim3A_352 = vector.shape_cast %max3A_351 : vector<16xi32> to vector<16x1xi32>
          %gather3A_353 = vector.shape_cast %broadcast_in_dim3A_352 : vector<16x1xi32> to vector<16xi32>
          %gather3A_354 = tpu.dynamic_gather %get3A_341[%gather3A_353] in [0] : vector<16xi32>, vector<16xi32> -> vector<16xi32>
          %eq3A_355 = arith.constant 0 : i32
          %eq3A_356 = vector.broadcast %eq3A_355 : i32 to vector<16xi32>
          %eq3A_357 = arith.cmpi eq, %iota3A_345, %eq3A_356 : vector<16xi32>
          %ne3A_358 = arith.cmpi ne, %get3A_341, %gather3A_354 : vector<16xi32>
          %or3A_359 = arith.ori %eq3A_357, %ne3A_358 : vector<16xi1>
          %broadcast_in_dim3A_360 = arith.constant true
          %broadcast_in_dim3A_361 = vector.broadcast %broadcast_in_dim3A_360 : i1 to vector<16xi1>
          %masked_cumsum3A_362 = tpu.scan <sum>, %bitcast3A_344 masked %broadcast_in_dim3A_361 : vector<16xf32>, vector<16xi1> -> vector<16xf32>
          %jit3A_363 = arith.constant 0 : i32
          %broadcast_in_dim3A_364 = vector.broadcast %jit3A_363 : i32 to vector<16xi32>
          %select_n3A_365 = arith.select %or3A_359, %iota3A_345, %broadcast_in_dim3A_364 : vector<16xi1>, vector<16xi32>
          %broadcast_in_dim3A_366 = arith.constant true
          %broadcast_in_dim3A_367 = vector.broadcast %broadcast_in_dim3A_366 : i1 to vector<16xi1>
          %masked_cummax3A_368 = arith.constant -2147483648 : i32
          %masked_cummax3A_369 = vector.broadcast %masked_cummax3A_368 : i32 to vector<16xi32>
          %masked_cummax3A_370 = arith.xori %select_n3A_365, %masked_cummax3A_369 : vector<16xi32>
          %masked_cummax3A_371 = tpu.scan <max>, %masked_cummax3A_370 masked %broadcast_in_dim3A_367 : vector<16xi32>, vector<16xi1> -> vector<16xi32>
          %masked_cummax3A_372 = arith.xori %masked_cummax3A_371, %masked_cummax3A_369 : vector<16xi32>
          %gt3A_373 = arith.constant 0 : i32
          %gt3A_374 = vector.broadcast %gt3A_373 : i32 to vector<16xi32>
          %gt3A_375 = arith.cmpi sgt, %masked_cummax3A_372, %gt3A_374 : vector<16xi32>
          %sub3A_376 = arith.constant 1 : i32
          %sub3A_377 = vector.broadcast %sub3A_376 : i32 to vector<16xi32>
          %sub3A_378 = arith.subi %masked_cummax3A_372, %sub3A_377 : vector<16xi32>
          %max3A_379 = arith.constant 0 : i32
          %max3A_380 = vector.broadcast %max3A_379 : i32 to vector<16xi32>
          %max3A_381 = arith.maxsi %sub3A_378, %max3A_380 : vector<16xi32>
          %broadcast_in_dim3A_382 = vector.shape_cast %max3A_381 : vector<16xi32> to vector<16x1xi32>
          %gather3A_383 = vector.shape_cast %broadcast_in_dim3A_382 : vector<16x1xi32> to vector<16xi32>
          %gather3A_384 = tpu.dynamic_gather %masked_cumsum3A_362[%gather3A_383] in [0] : vector<16xf32>, vector<16xi32> -> vector<16xf32>
          %jit3A_385 = arith.constant 0.000000e+00 : f32
          %broadcast_in_dim3A_386 = vector.broadcast %jit3A_385 : f32 to vector<16xf32>
          %select_n3A_387 = arith.select %gt3A_375, %gather3A_384, %broadcast_in_dim3A_386 : vector<16xi1>, vector<16xf32>
          %add3A_388 = arith.constant 1 : i32
          %add3A_389 = vector.broadcast %add3A_388 : i32 to vector<16xi32>
          %add3A_390 = arith.addi %iota3A_345, %add3A_389 : vector<16xi32>
          %min3A_391 = arith.constant 15 : i32
          %min3A_392 = vector.broadcast %min3A_391 : i32 to vector<16xi32>
          %min3A_393 = arith.minsi %add3A_390, %min3A_392 : vector<16xi32>
          %broadcast_in_dim3A_394 = vector.shape_cast %min3A_393 : vector<16xi32> to vector<16x1xi32>
          %gather3A_395 = vector.shape_cast %broadcast_in_dim3A_394 : vector<16x1xi32> to vector<16xi32>
          %gather3A_396 = tpu.dynamic_gather %get3A_341[%gather3A_395] in [0] : vector<16xi32>, vector<16xi32> -> vector<16xi32>
          %eq3A_397 = arith.constant 15 : i32
          %eq3A_398 = vector.broadcast %eq3A_397 : i32 to vector<16xi32>
          %eq3A_399 = arith.cmpi eq, %iota3A_345, %eq3A_398 : vector<16xi32>
          %ne3A_400 = arith.cmpi ne, %get3A_341, %gather3A_396 : vector<16xi32>
          %or3A_401 = arith.ori %eq3A_399, %ne3A_400 : vector<16xi1>
          %sub3A_402 = arith.subi %iota3A_345, %masked_cummax3A_372 : vector<16xi32>
          %add3A_403 = arith.constant 1 : i32
          %add3A_404 = vector.broadcast %add3A_403 : i32 to vector<16xi32>
          %add3A_405 = arith.addi %sub3A_402, %add3A_404 : vector<16xi32>
          %convert_element_type3A_406 = arith.sitofp %add3A_405 : vector<16xi32> to vector<16xf32>
          %sub3A_407 = arith.subf %masked_cumsum3A_362, %select_n3A_387 : vector<16xf32>
          tpu.vector_store_idx %run_scoped3A[%get3A_341], %sub3A_407 masked %or3A_401 {add = true} : memref<50000xf32, #tpu.memory_space<vmem>>[vector<16xi32>], vector<16xf32>, vector<16xi1>
          tpu.vector_store_idx %run_scoped3A_1[%get3A_341], %convert_element_type3A_406 masked %or3A_401 {add = true} : memref<50000xf32, #tpu.memory_space<vmem>>[vector<16xi32>], vector<16xf32>, vector<16xi1>
        }
        %scan3A_64 = arith.constant 625 : i32
      }
      %scan3A_54 = arith.constant 5 : i32
      "tpu.region"() ({
        %run_scoped3A_55 = tpu.sem_alloc : memref<!tpu.dma_semaphore, #tpu.memory_space<semaphore_mem>>
        %dma_start3A = arith.constant 0 : i32
        %dma_start3A_56 = tpu.memref_slice %arg8[%add3A, %dma_start3A] : memref<32x50000xf32, #tpu.memory_space<hbm>> -> memref<1x50000xf32, #tpu.memory_space<hbm>>
        %dma_start3A_57 = tpu.memref_squeeze %dma_start3A_56 : memref<1x50000xf32, #tpu.memory_space<hbm>> -> memref<50000xf32, #tpu.memory_space<hbm>>
        %dma_start3A_58 = arith.constant 0 : i32
        %dma_start3A_59 = tpu.memref_slice %arg8[%add3A, %dma_start3A_58] : memref<32x50000xf32, #tpu.memory_space<hbm>> -> memref<1x50000xf32, #tpu.memory_space<hbm>>
        %dma_start3A_60 = tpu.memref_squeeze %dma_start3A_59 : memref<1x50000xf32, #tpu.memory_space<hbm>> -> memref<50000xf32, #tpu.memory_space<hbm>>
        tpu.enqueue_dma source(%run_scoped3A : memref<50000xf32, #tpu.memory_space<vmem>>) target(%dma_start3A_60 : memref<50000xf32, #tpu.memory_space<hbm>>) target_semaphore(%run_scoped3A_55 : memref<!tpu.dma_semaphore, #tpu.memory_space<semaphore_mem>>)
        %dma_wait3A = arith.constant 0 : i32
        %dma_wait3A_61 = tpu.memref_slice %arg8[%add3A, %dma_wait3A] : memref<32x50000xf32, #tpu.memory_space<hbm>> -> memref<1x50000xf32, #tpu.memory_space<hbm>>
        %dma_wait3A_62 = tpu.memref_squeeze %dma_wait3A_61 : memref<1x50000xf32, #tpu.memory_space<hbm>> -> memref<50000xf32, #tpu.memory_space<hbm>>
        %dma_wait3A_63 = arith.constant 0 : i32
        %dma_wait3A_64 = tpu.memref_slice %arg8[%add3A, %dma_wait3A_63] : memref<32x50000xf32, #tpu.memory_space<hbm>> -> memref<1x50000xf32, #tpu.memory_space<hbm>>
        %dma_wait3A_65 = tpu.memref_squeeze %dma_wait3A_64 : memref<1x50000xf32, #tpu.memory_space<hbm>> -> memref<50000xf32, #tpu.memory_space<hbm>>
        tpu.wait_dma2 semaphore(%run_scoped3A_55 : memref<!tpu.dma_semaphore, #tpu.memory_space<semaphore_mem>>) src(%run_scoped3A : memref<50000xf32, #tpu.memory_space<vmem>>) dst(%dma_wait3A_65 : memref<50000xf32, #tpu.memory_space<hbm>>)
        tpu.yield
      }) : () -> ()
      "tpu.region"() ({
        %run_scoped3A_55 = tpu.sem_alloc : memref<!tpu.dma_semaphore, #tpu.memory_space<semaphore_mem>>
        %dma_start3A = arith.constant 0 : i32
        %dma_start3A_56 = tpu.memref_slice %arg9[%add3A, %dma_start3A] : memref<32x50000xf32, #tpu.memory_space<hbm>> -> memref<1x50000xf32, #tpu.memory_space<hbm>>
        %dma_start3A_57 = tpu.memref_squeeze %dma_start3A_56 : memref<1x50000xf32, #tpu.memory_space<hbm>> -> memref<50000xf32, #tpu.memory_space<hbm>>
        %dma_start3A_58 = arith.constant 0 : i32
        %dma_start3A_59 = tpu.memref_slice %arg9[%add3A, %dma_start3A_58] : memref<32x50000xf32, #tpu.memory_space<hbm>> -> memref<1x50000xf32, #tpu.memory_space<hbm>>
        %dma_start3A_60 = tpu.memref_squeeze %dma_start3A_59 : memref<1x50000xf32, #tpu.memory_space<hbm>> -> memref<50000xf32, #tpu.memory_space<hbm>>
        tpu.enqueue_dma source(%run_scoped3A_1 : memref<50000xf32, #tpu.memory_space<vmem>>) target(%dma_start3A_60 : memref<50000xf32, #tpu.memory_space<hbm>>) target_semaphore(%run_scoped3A_55 : memref<!tpu.dma_semaphore, #tpu.memory_space<semaphore_mem>>)
        %dma_wait3A = arith.constant 0 : i32
        %dma_wait3A_61 = tpu.memref_slice %arg9[%add3A, %dma_wait3A] : memref<32x50000xf32, #tpu.memory_space<hbm>> -> memref<1x50000xf32, #tpu.memory_space<hbm>>
        %dma_wait3A_62 = tpu.memref_squeeze %dma_wait3A_61 : memref<1x50000xf32, #tpu.memory_space<hbm>> -> memref<50000xf32, #tpu.memory_space<hbm>>
        %dma_wait3A_63 = arith.constant 0 : i32
        %dma_wait3A_64 = tpu.memref_slice %arg9[%add3A, %dma_wait3A_63] : memref<32x50000xf32, #tpu.memory_space<hbm>> -> memref<1x50000xf32, #tpu.memory_space<hbm>>
        %dma_wait3A_65 = tpu.memref_squeeze %dma_wait3A_64 : memref<1x50000xf32, #tpu.memory_space<hbm>> -> memref<50000xf32, #tpu.memory_space<hbm>>
        tpu.wait_dma2 semaphore(%run_scoped3A_55 : memref<!tpu.dma_semaphore, #tpu.memory_space<semaphore_mem>>) src(%run_scoped3A_1 : memref<50000xf32, #tpu.memory_space<vmem>>) dst(%dma_wait3A_65 : memref<50000xf32, #tpu.memory_space<hbm>>)
        tpu.yield
      }) : () -> ()
      tpu.yield
    }) : () -> ()
    return
  }
}

module attributes {stable_mosaic.version = 14 : i64} {
  func.func @_scores_body(%arg0: i32, %arg1: memref<10000x32xf32, #tpu.memory_space<vmem>>, %arg2: memref<1000x32xf32, #tpu.memory_space<vmem>>, %arg3: memref<1x32xf32, #tpu.memory_space<vmem>>, %arg4: memref<1x32xf32, #tpu.memory_space<vmem>>, %arg5: memref<10000x1xf32, #tpu.memory_space<vmem>>, %arg6: memref<1000x1xf32, #tpu.memory_space<vmem>>) attributes {dimension_semantics = [#tpu.dimension_semantics<arbitrary>], iteration_bounds = array<i64: 10>, scalar_prefetch = 0 : i64, scratch_operands = 0 : i64, tpu.core_type = #tpu.core_type<tc>, window_params = [{transform_indices = @transform_0, window_bounds = array<i64: 10000, 32>}, {pipeline_mode = #tpu.pipeline_mode<synchronous>, transform_indices = @transform_1, window_bounds = array<i64: 1000, 32>}, {pipeline_mode = #tpu.pipeline_mode<synchronous>, transform_indices = @transform_2, window_bounds = array<i64: 1, 32>}, {pipeline_mode = #tpu.pipeline_mode<synchronous>, transform_indices = @transform_3, window_bounds = array<i64: 1, 32>}, {transform_indices = @transform_4, window_bounds = array<i64: 10000, 1>}, {pipeline_mode = #tpu.pipeline_mode<synchronous>, transform_indices = @transform_5, window_bounds = array<i64: 1000, 1>}]} {
    %get3A = arith.constant 0 : index
    %get3A_0 = arith.constant 0 : index
    %get3A_1 = vector.load %arg1[%get3A, %get3A_0] : memref<10000x32xf32, #tpu.memory_space<vmem>>, vector<10000x32xf32>
    %get3A_2 = arith.constant 0 : index
    %get3A_3 = arith.constant 0 : index
    %get3A_4 = vector.load %arg4[%get3A_2, %get3A_3] : memref<1x32xf32, #tpu.memory_space<vmem>>, vector<1x32xf32>
    %mul3A = vector.broadcast %get3A_4 : vector<1x32xf32> to vector<10000x32xf32>
    %mul3A_5 = arith.mulf %get3A_1, %mul3A : vector<10000x32xf32>
    %reduce_sum3A = arith.constant dense<0.000000e+00> : vector<10000xf32>
    %reduce_sum3A_6 = vector.multi_reduction <add>, %mul3A_5, %reduce_sum3A [1] : vector<10000x32xf32> to vector<10000xf32>
    %broadcast_in_dim3A = vector.shape_cast %reduce_sum3A_6 : vector<10000xf32> to vector<10000x1xf32>
    %swap3A = arith.constant 0 : index
    %swap3A_7 = arith.constant 0 : index
    %swap3A_8 = vector.load %arg5[%swap3A, %swap3A_7] : memref<10000x1xf32, #tpu.memory_space<vmem>>, vector<10000x1xf32>
    tpu.vector_store %arg5[%swap3A, %swap3A_7], %broadcast_in_dim3A {strides = array<i32>} : memref<10000x1xf32, #tpu.memory_space<vmem>>, vector<10000x1xf32>,
    %eq3A = arith.constant 0 : i32
    %eq3A_9 = arith.cmpi eq, %arg0, %eq3A : i32
    %convert_element_type3A = arith.extui %eq3A_9 : i1 to i32
    %cond3A = arith.constant 0 : i32
    %cond3A_10 = arith.cmpi ne, %convert_element_type3A, %cond3A : i32
    scf.if %cond3A_10 {
      %get3A_11 = arith.constant 0 : index
      %get3A_12 = arith.constant 0 : index
      %get3A_13 = vector.load %arg2[%get3A_11, %get3A_12] : memref<1000x32xf32, #tpu.memory_space<vmem>>, vector<1000x32xf32>
      %get3A_14 = arith.constant 0 : index
      %get3A_15 = arith.constant 0 : index
      %get3A_16 = vector.load %arg3[%get3A_14, %get3A_15] : memref<1x32xf32, #tpu.memory_space<vmem>>, vector<1x32xf32>
      %mul3A_17 = vector.broadcast %get3A_16 : vector<1x32xf32> to vector<1000x32xf32>
      %mul3A_18 = arith.mulf %get3A_13, %mul3A_17 : vector<1000x32xf32>
      %reduce_sum3A_19 = arith.constant dense<0.000000e+00> : vector<1000xf32>
      %reduce_sum3A_20 = vector.multi_reduction <add>, %mul3A_18, %reduce_sum3A_19 [1] : vector<1000x32xf32> to vector<1000xf32>
      %broadcast_in_dim3A_21 = vector.shape_cast %reduce_sum3A_20 : vector<1000xf32> to vector<1000x1xf32>
      %swap3A_22 = arith.constant 0 : index
      %swap3A_23 = arith.constant 0 : index
      %swap3A_24 = vector.load %arg6[%swap3A_22, %swap3A_23] : memref<1000x1xf32, #tpu.memory_space<vmem>>, vector<1000x1xf32>
      tpu.vector_store %arg6[%swap3A_22, %swap3A_23], %broadcast_in_dim3A_21 {strides = array<i32>} : memref<1000x1xf32, #tpu.memory_space<vmem>>, vector<1000x1xf32>,
    } else {
    }
    return
  }
  func.func @transform_0(%arg0: i32) -> (i32, i32) {
    %c0_i32 = arith.constant 0 : i32
    %c0_i32_0 = arith.constant 0 : i32
    return %arg0, %c0_i32 : i32, i32
  }
  func.func @transform_1(%arg0: i32) -> (i32, i32) {
    %c0_i32 = arith.constant 0 : i32
    %c0_i32_0 = arith.constant 0 : i32
    %c0_i32_1 = arith.constant 0 : i32
    return %c0_i32, %c0_i32_0 : i32, i32
  }
  func.func @transform_2(%arg0: i32) -> (i32, i32) {
    %c0_i32 = arith.constant 0 : i32
    %c0_i32_0 = arith.constant 0 : i32
    %c0_i32_1 = arith.constant 0 : i32
    return %c0_i32, %c0_i32_0 : i32, i32
  }
  func.func @transform_3(%arg0: i32) -> (i32, i32) {
    %c0_i32 = arith.constant 0 : i32
    %c0_i32_0 = arith.constant 0 : i32
    %c0_i32_1 = arith.constant 0 : i32
    return %c0_i32, %c0_i32_0 : i32, i32
  }
  func.func @transform_4(%arg0: i32) -> (i32, i32) {
    %c0_i32 = arith.constant 0 : i32
    %c0_i32_0 = arith.constant 0 : i32
    return %arg0, %c0_i32 : i32, i32
  }
  func.func @transform_5(%arg0: i32) -> (i32, i32) {
    %c0_i32 = arith.constant 0 : i32
    %c0_i32_0 = arith.constant 0 : i32
    %c0_i32_1 = arith.constant 0 : i32
    return %c0_i32, %c0_i32_0 : i32, i32
  }
}

module attributes {stable_mosaic.version = 14 : i64} {
  func.func @_merge_body(%arg0: i32, %arg1: memref<8x50000xf32, #tpu.memory_space<vmem>>, %arg2: memref<8x50000xf32, #tpu.memory_space<vmem>>, %arg3: memref<1x1xf32, #tpu.memory_space<vmem>>, %arg4: memref<1x50000xf32, #tpu.memory_space<vmem>>, %arg5: memref<1x50000xf32, #tpu.memory_space<vmem>>, %arg6: memref<1x50000xf32, #tpu.memory_space<vmem>>) attributes {dimension_semantics = [#tpu.dimension_semantics<arbitrary>], iteration_bounds = array<i64: 4>, scalar_prefetch = 0 : i64, scratch_operands = 2 : i64, tpu.core_type = #tpu.core_type<tc>, window_params = [{transform_indices = @transform_0, window_bounds = array<i64: 8, 50000>}, {transform_indices = @transform_1, window_bounds = array<i64: 8, 50000>}, {pipeline_mode = #tpu.pipeline_mode<synchronous>, transform_indices = @transform_2, window_bounds = array<i64: 1, 1>}, {pipeline_mode = #tpu.pipeline_mode<synchronous>, transform_indices = @transform_3, window_bounds = array<i64: 1, 50000>}]} {
    %get3A = arith.constant 0 : index
    %get3A_0 = arith.constant 0 : index
    %get3A_1 = vector.load %arg1[%get3A, %get3A_0] : memref<8x50000xf32, #tpu.memory_space<vmem>>, vector<8x50000xf32>
    %reduce_sum3A = arith.constant dense<0.000000e+00> : vector<50000xf32>
    %reduce_sum3A_2 = vector.multi_reduction <add>, %get3A_1, %reduce_sum3A [0] : vector<8x50000xf32> to vector<50000xf32>
    %broadcast_in_dim3A = vector.shape_cast %reduce_sum3A_2 : vector<50000xf32> to vector<1x50000xf32>
    %get3A_3 = arith.constant 0 : index
    %get3A_4 = arith.constant 0 : index
    %get3A_5 = vector.load %arg2[%get3A_3, %get3A_4] : memref<8x50000xf32, #tpu.memory_space<vmem>>, vector<8x50000xf32>
    %reduce_sum3A_6 = arith.constant dense<0.000000e+00> : vector<50000xf32>
    %reduce_sum3A_7 = vector.multi_reduction <add>, %get3A_5, %reduce_sum3A_6 [0] : vector<8x50000xf32> to vector<50000xf32>
    %broadcast_in_dim3A_8 = vector.shape_cast %reduce_sum3A_7 : vector<50000xf32> to vector<1x50000xf32>
    %eq3A = arith.constant 0 : i32
    %eq3A_9 = arith.cmpi eq, %arg0, %eq3A : i32
    %convert_element_type3A = arith.extui %eq3A_9 : i1 to i32
    %cond3A = arith.constant 0 : i32
    %cond3A_10 = arith.cmpi ne, %convert_element_type3A, %cond3A : i32
    scf.if %cond3A_10 {
      %swap3A = arith.constant 0 : index
      %swap3A_20 = arith.constant 0 : index
      %swap3A_21 = vector.load %arg5[%swap3A, %swap3A_20] : memref<1x50000xf32, #tpu.memory_space<vmem>>, vector<1x50000xf32>
      tpu.vector_store %arg5[%swap3A, %swap3A_20], %broadcast_in_dim3A {strides = array<i32>} : memref<1x50000xf32, #tpu.memory_space<vmem>>, vector<1x50000xf32>,
      %swap3A_22 = arith.constant 0 : index
      %swap3A_23 = arith.constant 0 : index
      %swap3A_24 = vector.load %arg6[%swap3A_22, %swap3A_23] : memref<1x50000xf32, #tpu.memory_space<vmem>>, vector<1x50000xf32>
      tpu.vector_store %arg6[%swap3A_22, %swap3A_23], %broadcast_in_dim3A_8 {strides = array<i32>} : memref<1x50000xf32, #tpu.memory_space<vmem>>, vector<1x50000xf32>,
    } else {
    }
    %gt3A = arith.constant 0 : i32
    %gt3A_11 = arith.cmpi sgt, %arg0, %gt3A : i32
    %convert_element_type3A_12 = arith.extui %gt3A_11 : i1 to i32
    %cond3A_13 = arith.constant 0 : i32
    %cond3A_14 = arith.cmpi ne, %convert_element_type3A_12, %cond3A_13 : i32
    scf.if %cond3A_14 {
      %get3A_20 = arith.constant 0 : index
      %get3A_21 = arith.constant 0 : index
      %get3A_22 = vector.load %arg5[%get3A_20, %get3A_21] : memref<1x50000xf32, #tpu.memory_space<vmem>>, vector<1x50000xf32>
      %add3A = arith.addf %get3A_22, %broadcast_in_dim3A : vector<1x50000xf32>
      %swap3A = arith.constant 0 : index
      %swap3A_23 = arith.constant 0 : index
      %swap3A_24 = vector.load %arg5[%swap3A, %swap3A_23] : memref<1x50000xf32, #tpu.memory_space<vmem>>, vector<1x50000xf32>
      tpu.vector_store %arg5[%swap3A, %swap3A_23], %add3A {strides = array<i32>} : memref<1x50000xf32, #tpu.memory_space<vmem>>, vector<1x50000xf32>,
      %get3A_25 = arith.constant 0 : index
      %get3A_26 = arith.constant 0 : index
      %get3A_27 = vector.load %arg6[%get3A_25, %get3A_26] : memref<1x50000xf32, #tpu.memory_space<vmem>>, vector<1x50000xf32>
      %add3A_28 = arith.addf %get3A_27, %broadcast_in_dim3A_8 : vector<1x50000xf32>
      %swap3A_29 = arith.constant 0 : index
      %swap3A_30 = arith.constant 0 : index
      %swap3A_31 = vector.load %arg6[%swap3A_29, %swap3A_30] : memref<1x50000xf32, #tpu.memory_space<vmem>>, vector<1x50000xf32>
      tpu.vector_store %arg6[%swap3A_29, %swap3A_30], %add3A_28 {strides = array<i32>} : memref<1x50000xf32, #tpu.memory_space<vmem>>, vector<1x50000xf32>,
    } else {
    }
    %eq3A_15 = arith.constant 3 : i32
    %eq3A_16 = arith.cmpi eq, %arg0, %eq3A_15 : i32
    %convert_element_type3A_17 = arith.extui %eq3A_16 : i1 to i32
    %cond3A_18 = arith.constant 0 : i32
    %cond3A_19 = arith.cmpi ne, %convert_element_type3A_17, %cond3A_18 : i32
    scf.if %cond3A_19 {
      %get3A_20 = arith.constant 0 : index
      %get3A_21 = arith.constant 0 : index
      %get3A_22 = vector.load %arg5[%get3A_20, %get3A_21] : memref<1x50000xf32, #tpu.memory_space<vmem>>, vector<1x50000xf32>
      %get3A_23 = arith.constant 0 : index
      %get3A_24 = arith.constant 0 : index
      %get3A_25 = vector.load %arg6[%get3A_23, %get3A_24] : memref<1x50000xf32, #tpu.memory_space<vmem>>, vector<1x50000xf32>
      %max3A = arith.constant 1.000000e+00 : f32
      %max3A_26 = vector.broadcast %max3A : f32 to vector<1x50000xf32>
      %max3A_27 = arith.maximumf %get3A_25, %max3A_26 : vector<1x50000xf32>
      %div3A = arith.divf %get3A_22, %max3A_27 : vector<1x50000xf32>
      %get3A_28 = arith.constant 0 : index
      %get3A_29 = arith.constant 0 : index
      %get3A_30 = vector.load %arg3[%get3A_28, %get3A_29] : memref<1x1xf32, #tpu.memory_space<vmem>>, vector<1x1xf32>
      %get3A_31 = vector.extract %get3A_30[0, 0] : f32 from vector<1x1xf32>
      %add3A = vector.broadcast %get3A_31 : f32 to vector<1x50000xf32>
      %add3A_32 = arith.addf %div3A, %add3A : vector<1x50000xf32>
      %swap3A = arith.constant 0 : index
      %swap3A_33 = arith.constant 0 : index
      %swap3A_34 = vector.load %arg4[%swap3A, %swap3A_33] : memref<1x50000xf32, #tpu.memory_space<vmem>>, vector<1x50000xf32>
      tpu.vector_store %arg4[%swap3A, %swap3A_33], %add3A_32 {strides = array<i32>} : memref<1x50000xf32, #tpu.memory_space<vmem>>, vector<1x50000xf32>,
    } else {
    }
    return
  }
  func.func @transform_0(%arg0: i32) -> (i32, i32) {
    %c0_i32 = arith.constant 0 : i32
    %c0_i32_0 = arith.constant 0 : i32
    return %arg0, %c0_i32 : i32, i32
  }
  func.func @transform_1(%arg0: i32) -> (i32, i32) {
    %c0_i32 = arith.constant 0 : i32
    %c0_i32_0 = arith.constant 0 : i32
    return %arg0, %c0_i32 : i32, i32
  }
  func.func @transform_2(%arg0: i32) -> (i32, i32) {
    %c0_i32 = arith.constant 0 : i32
    %c0_i32_0 = arith.constant 0 : i32
    %c0_i32_1 = arith.constant 0 : i32
    return %c0_i32, %c0_i32_0 : i32, i32
  }
  func.func @transform_3(%arg0: i32) -> (i32, i32) {
    %c0_i32 = arith.constant 0 : i32
    %c0_i32_0 = arith.constant 0 : i32
    %c0_i32_1 = arith.constant 0 : i32
    return %c0_i32, %c0_i32_0 : i32, i32
  }
}

</mosaic_0001>

<sc_bundles>
// kernel: kernel.5.cloned.1.call-start
scs
__scs_entry_jumppad:
0x0: {  	(pc) =	sbr.rel $0x88, $3  }
0x1: {  	(tag) =	ssettag $0x0;
	lr =	simm.s32 $0x1  }
0x2: {  	[smem:$0x3F9A] =	sst lr;
	_ =	strace $0xD0000000  }
0x3: {  	_ = 	snop  }
0x4: {  	_ = 	snop  }
0x5: {  	_ = 	snop  }
0x6: {  	_ = 	snop  }
0x7: {  	_ = 	snop  }
__scs_overlays_trampoline_lowered:
0x8: {  	[smem:$0x3FA9] =	sst s0  }
0x9: {  	[smem:$0x3FAA] =	sst s1  }
0xa: {  	[smem:$0x3FAB] =	sst s2  }
0xb: {  	[smem:$0x3FAC] =	sst s3  }
0xc: {  	[smem:$0x3FAD] =	sst s4  }
0xd: {  	[smem:$0x3FAE] =	sst s5  }
0xe: {  	[smem:$0x3FAF] =	sst s6  }
0xf: {  	[smem:$0x3FB0] =	sst s7  }
0x10: {  	[smem:$0x3FB1] =	sst s8  }
0x11: {  	[smem:$0x3FB2] =	sst s9;
	s0 =	simm.s32 @!p0 $0x0  }
0x12: {  	s1 =	sld [smem:$0x3F98];
	s0 =	simm.s32 @p0 $0x1  }
0x13: {  	[smem:$0x3FB3] =	sst s0;
	s0 =	simm.s32 @!p1 $0x0  }
0x14: {  	s2 =	sld [smem:$0x3F97];
	s0 =	simm.s32 @p1 $0x1  }
0x15: {  	[smem:$0x3FB4] =	sst s0;
	s0 =	simm.s32 @!p2 $0x0  }
0x16: {  	s3 =	sld [smem:$0x3FDB];
	s0 =	simm.s32 @p2 $0x1  }
0x17: {  	s4 =	simm.s32 $0x1BF5;
	[smem:$0x3FB6] =	sst s0  }
0x18: {  	s0 =	sld [smem:$0x3F99];
	_ =	swait.ge [sflag:s4], $0x0  }
0x19: {  	s7 =	sld [smem:$0x3F9A]  }
0x1a: {  	s8 =	sadd.s32 $0xFFFFE003, lr  }
0x1b: {  	s9 =	sadd.s32 $0xFFFFFEF7, lr;
	s5 =	simm.s32 $0xFFFFFFFF;
	p2 =	slt.u32 s8, $0xFFFFF086  }
0x1c: {  	p1 =	slt.u32 s9, $0xF7A;
	s5 =	simm.s32 @!p2 $0x0  }
0x1d: {  	s5 =	simm.s32 @p1 $0x1;
	p0 =	seq.s32 s7, s2  }
0x1e: {  	s7 =	smul.u32 @!p0 $0xF7A, s2;
	p2 =	seq.s32 @!p0 s5, $0x0  }
0x1f: {  	s9 =	smul.u32 $0xF7A, s1;
	s8 =	simm.s32 @!p0 $0x1BF5;
	p2 =	por !p2, p0  }
0x20: {  	[sflag:s8] =	ssyncset.s32 @!p0 $0xFFFFF086;
	s6 =	sadd.s32 @!p0 s3, s7;
	s7 =	simm.s32 @!p0 $0x108  }
0x21: {  	s3 =	sadd.s32 s3, s9;
	s6 =	sadd.s32 @!p0 $0x88, s6;
	s7 =	simm.s32 @p2 $0x1082  }
0x22: {  	[simem:s7], [sflag:s8] =	dma.local @!p0 [hbm:s6], $0xF7A  }
0x23: {  	s9 =	sor.u32 $0xD0000000, s2;
	s6 =	simm.s32 $0x108;
	_ =	swait.ge @!p0 [sflag:s8], $0x0  }
0x24: {  	s3 =	sadd.s32 $0x88, s3;
	s6 =	simm.s32 @!p1 $0x1082;
	[sflag:s4] =	ssyncset.s32 $0xFFFFF086  }
0x25: {  	[simem:s6], [sflag:s4] =	dma.local [hbm:s3], $0xF7A  }
0x26: {  	[smem:$0x3F9A] =	sst s1;
	(tag) =	ssettag s2;
	_ =	strace s9  }
0x27: {  	s1 =	sld [smem:$0x3FAA]  }
0x28: {  	s2 =	sld [smem:$0x3FAB]  }
0x29: {  	s4 =	sld [smem:$0x3FAD]  }
0x2a: {  	p0 =	seq.s32 s5, $0x0;
	s5 =	sld [smem:$0x3FAE]  }
0x2b: {  	s6 =	sld [smem:$0x3FAF]  }
0x2c: {  	s7 =	sld [smem:$0x3FB0]  }
0x2d: {  	s3 =	simm.s32 $0x108;
	s8 =	sld [smem:$0x3FB1]  }
0x2e: {  	s3 =	simm.s32 @!p0 $0x1082;
	s9 =	sld [smem:$0x3FB2]  }
0x2f: {  	lr =	sadd.s32 s0, s3;
	s0 =	sld [smem:$0x3FA9]  }
0x30: {  	s3 =	sld [smem:$0x3FAC]  }
0x31: {  	[smem:$0x3FB5] =	sst s10  }
0x32: {  	s10 =	sld [smem:$0x3FB3];
	_ =	sdelay $0x3  }
0x33: {  	p0 =	seq.s32 s10, $0x1;
	s10 =	sld [smem:$0x3FB5];
	_ =	sdelay $0x3  }
0x34: {  	[smem:$0x3FB5] =	sst s10  }
0x35: {  	s10 =	sld [smem:$0x3FB4];
	_ =	sdelay $0x3  }
0x36: {  	p1 =	seq.s32 s10, $0x1;
	s10 =	sld [smem:$0x3FB5];
	_ =	sdelay $0x3  }
0x37: {  	[smem:$0x3FB5] =	sst s10  }
0x38: {  	s10 =	sld [smem:$0x3FB6]  }
0x39: {  	_ = 	snop;
	(pc) =	sbr.ind lr, $3  }
0x3a: {  	_ = 	snop  }
0x3b: {  	_ = 	snop  }
0x3c: {  	p2 =	seq.s32 s10, $0x1;
	s10 =	sld [smem:$0x3FB5]  }
0x3d: {  	_ =	shalt  }
0x3e: {  	_ =	shalt  }
0x3f: {  	_ =	shalt  }
0x40: {  	_ =	shalt  }
0x41: {  	_ =	shalt  }
0x42: {  	_ =	shalt  }
0x43: {  	_ =	shalt  }
0x44: {  	_ =	shalt  }
0x45: {  	_ =	shalt  }
0x46: {  	_ =	shalt  }
0x47: {  	_ =	shalt  }
0x48: {  	_ =	shalt  }
0x49: {  	_ =	shalt  }
0x4a: {  	_ =	shalt  }
0x4b: {  	_ =	shalt  }
0x4c: {  	_ =	shalt  }
0x4d: {  	_ =	shalt  }
0x4e: {  	_ =	shalt  }
0x4f: {  	_ =	shalt  }
0x50: {  	_ =	shalt  }
0x51: {  	_ =	shalt  }
0x52: {  	_ =	shalt  }
0x53: {  	_ =	shalt  }
0x54: {  	_ =	shalt  }
0x55: {  	_ =	shalt  }
0x56: {  	_ =	shalt  }
0x57: {  	_ =	shalt  }
0x58: {  	_ =	shalt  }
0x59: {  	_ =	shalt  }
0x5a: {  	_ =	shalt  }
0x5b: {  	_ =	shalt  }
0x5c: {  	_ =	shalt  }
0x5d: {  	_ =	shalt  }
0x5e: {  	_ =	shalt  }
0x5f: {  	_ =	shalt  }
0x60: {  	_ =	shalt  }
0x61: {  	_ =	shalt  }
0x62: {  	_ =	shalt  }
0x63: {  	_ =	shalt  }
0x64: {  	_ =	shalt  }
0x65: {  	_ =	shalt  }
0x66: {  	_ =	shalt  }
0x67: {  	_ =	shalt  }
0x68: {  	_ =	shalt  }
0x69: {  	_ =	shalt  }
0x6a: {  	_ =	shalt  }
0x6b: {  	_ =	shalt  }
0x6c: {  	_ =	shalt  }
0x6d: {  	_ =	shalt  }
0x6e: {  	_ =	shalt  }
0x6f: {  	_ =	shalt  }
0x70: {  	_ =	shalt  }
0x71: {  	_ =	shalt  }
0x72: {  	_ =	shalt  }
0x73: {  	_ =	shalt  }
0x74: {  	_ =	shalt  }
0x75: {  	_ =	shalt  }
0x76: {  	_ =	shalt  }
0x77: {  	_ =	shalt  }
0x78: {  	_ =	shalt  }
0x79: {  	_ =	shalt  }
0x7a: {  	_ =	shalt  }
0x7b: {  	_ =	shalt  }
0x7c: {  	_ =	shalt  }
0x7d: {  	_ =	shalt  }
0x7e: {  	_ =	shalt  }
0x7f: {  	_ =	shalt  }
0x80: {  	_ =	shalt  }
0x81: {  	_ =	shalt  }
0x82: {  	_ =	shalt  }
0x83: {  	_ =	shalt  }
0x84: {  	_ =	shalt  }
0x85: {  	_ =	shalt  }
0x86: {  	_ =	shalt  }
0x87: {  	_ =	shalt  }
.Lfunc_end0:
.L_simem_size_0:
called_computation_lowered:
.L_overlay_start_0:
0x88: {  	s2 =	sld [smem:$0x3FD9]  }
0x89: {  	s3 =	sld [smem:$0x3FFE];
	_ =	sdelay $0x1  }
0x8a: {  	s1 =	srdreg.scid  }
0x8b: {  	s0 =	sand.u32 $0x1, s1  }
0x8c: {  	s17 =	sshll.u32 s0, $0xA;
	s2 =	sadd.s32 s3, s2  }
0x8d: {  	s2 =	sadd.s32 s2, s17  }
0x8e: {  	[smem:$0x3FC1] =	sst s2  }
0x8f: {  	_ = 	snop  }
0x90: {  	s2 =	sld [smem:$0x3FD0];
	(tm) =	ssettm $0x1  }
0x91: {  	s18 =	sld [smem:$0x3FFB];
	_ =	sdelay $0x3  }
0x92: {  	_ =	strace s18  }
0x93: {  	s3 =	sld [smem:$0x3FFC];
	_ =	sdelay $0x3  }
0x94: {  	_ =	strace s3  }
0x95: {  	s3 =	sld [smem:$0x3FFD];
	_ =	sdelay $0x3  }
0x96: {  	_ =	strace s3  }
0x97: {  	_ =	strace $0x8FFFFFFF  }
0x98: {  	s19 =	sld [smem:$0x3FDB];
	_ =	sdelay $0x1  }
0x99: {  	s4 =	simm.s32 $_scs_section_size  }
0x9a: {  	s5 =	simm.s32 $_size__tile_overlayer_lowered;
	s6 =	simm.s32 $_tile_overlayer_lowered  }
0x9b: {  	s22 =	simm.s32 $0x1BFF;
	s21 =	sshll.u32 s6, $0x1;
	s3 =	sadd.s32 s4, s19  }
0x9c: {  	s7 =	simm.s32 $0x0;
	s20 =	sshll.u32 s5, $0x1;
	s5 =	sadd.s32 s21, s3  }
0x9d: {  	[timem:s7], [sflag:s22] =	dma.local [hbm:s5], s20  }
0x9e: {  	_ =	swait.ge [sflag:s22], s20  }
0x9f: {  	s4 =	ssub.s32 $0x0, s20;
	[sflag:s22] =	ssyncset.done $0x0  }
0xa0: {  	[sflag:s22] =	ssyncadd.s32 s4;
	_ =	sdelay $0x1  }
0xa1: {  	s23 =	simm.s32 $0x1B8B  }
0xa2: {  	_ =	swait.ge [sflag:s23], $0x1  }
0xa3: {  	[sflag:s23] =	ssyncset.done $0x0  }
0xa4: {  	s25 =	simm.s32 $0x1B8E;
	s24 =	sld [smem:$0x3FFE];
	[sflag:s23] =	ssyncadd.s32 $0xFFFFFFFF  }
0xa5: {  	s26 =	simm.s32 $execute0_lowered;
	[smem:$0x3FD2] =	sst s25  }
0xa6: {  	s5 =	sshll.u32 s26, $0x1;
	_ =	strace $0x80000046;
	[dreg:$0x1] =	wrdreg $0xFFFFFFFF  }
0xa7: {  	s28 =	simm.s32 $_size_execute0_lowered;
	s3 =	sadd.s32 s3, s5;
	[dreg:$0x0] =	wrdreg $0x0  }
0xa8: {  	s5 =	sshll.u32 s28, $0x1;
	[dreg:$0x2] =	wrdreg s3  }
0xa9: {  	[dreg:$0x3] =	wrdreg s5  }
0xaa: {  	[dreg:$0x4] =	wrdreg $0xC0  }
0xab: {  	_ =	task [dreg:s7], $0x5FFFF  }
0xac: {  	[dreg:$0x1] =	wrdreg $0xFFFFFFFF  }
0xad: {  	[dreg:$0x0] =	wrdreg $0x60  }
0xae: {  	[dreg:$0x2] =	wrdreg s24  }
0xaf: {  	[dreg:$0x3] =	wrdreg s2  }
0xb0: {  	[dreg:$0x4] =	wrdreg $0x9  }
0xb1: {  	_ =	task.clear_ibuf [dreg:s7], $0x5FFFF;
	_ =	strace $0x90000046  }
0xb2: {  	s29 =	simm.s32 $0x9;
	_ =	strace $0x80000048  }
0xb3: {  	_ =	swait.ge [sflag:s29], $0x1  }
0xb4: {  	[sflag:s29] =	ssyncadd.s32 $0xFFFFFFFF  }
0xb5: {  	_ =	strace $0x90000048  }
0xb6: {  	_ =	sfence  }
0xb7: {  	s30 =	sld [smem:$0x0];
	_ =	sdelay $0x2  }
0xb8: {  	s31 =	sshll.u32 s1, $0xD;
	s1 =	sshrl.u32 s1, $0x2  }
0xb9: {  	s3 =	sand.u32 $0x4000, s31;
	s1 =	sadd.s32 s1, s30  }
0xba: {  	s0 =	sor.u32 s3, s0;
	s1 =	sshll.u32 s1, $0x11  }
0xbb: {  	s0 =	sor.u32 s1, s0  }
0xbc: {  	s0 =	sadd.s32 $0x8F2B, s0  }
0xbd: {  	[sflag:s0] =	ssyncadd.remote.s32 $0x1  }
0xbe: {  	_ =	sfence.sel $0xFFFF  }
0xbf: {  	[dreg:$0x0] =	wrdreg $0xFFFFFFFF;
	(pc) =	sbr.abs _section_cstart, $3  }
0xc0: {  	[dreg:$0x1] =	wrdreg $0xFFFFFFFF  }
0xc1: {  	_ =	task.clear_ibuf [dreg:s7], $0x2FFFF;
	_ =	strace $0x9FFFFFFF  }
0xc2: {  	(tm) =	ssettm $0x7FFFFFFF  }
0xc3: {  	_ =	shalt  }
tec
execute0_lowered:
.L_overlay_start_1:
0x0: {  	(tag) =	ssettag $0x1  }
0x1: {  	s9 =	rddreg [dreg:$0x0]  }
0x2: {  	s2 =	rddreg [dreg:$0x1]  }
0x3: {  	s0 =	rddreg [dreg:$0x2]  }
0x4: {  	s3 =	simm.s32 $0x0;
	s4 =	srdreg.scid;
	s1 =	stileid.u32  }
0x5: {  	s14 =	simm.s32 $0x400;
	s15 =	simm.s32 $0x80;
	s16 =	simm.s32 $0x18B00  }
0x6: {  	s17 =	simm.s32 $0x1B280;
	s18 =	simm.s32 $0x18700;
	s19 =	simm.s32 $0x1AE80  }
0x7: {  	s20 =	simm.s32 $0xC380;
	s21 =	simm.s32 $0x0;
	[smem:$0x7FF] =	sst s3  }
0x8: {  	v2 =	vimm.s32 $0xFFEDCBA9;
	v3 =	vimm.s32 $0x87654321;
	s8 =	sand.u32 $0x1, s4;
	s5 =	sshll.u32 s1, $0x1;
	s4 =	sadd.s32 $0x5200, s9  }
0x9: {  	v1 =	vimm.s32 $0xEDCBA987;
	s7 =	sshrl.u32 s1, $0x2;
	s6 =	sadd.s32 $0x67E00, s9;
	v2 =	vunpack.c.l.s4.s8 v2;
	v3 =	vunpack.c.l.s4.s8 v3;
	s10 =	sor.u32 s8, s5  }
0xa: {  	v0 =	vimm.s32 $0x65432100;
	v1 =	vunpack.c.l.s4.s8 v1;
	_ =	strace $0x80000047;
	s12 =	smul.u32 $0x61C00, s7;
	s11 =	sshll.u32 s10, $0x7  }
0xb: {  	v0 =	vunpack.c.l.s4.s8 v0;
	s5 =	sadd.s32 $0x36800, s9;
	s31 =	ssub.s32 $0x2, s8;
	v2 =	vunpack.c.0.s8.s32 v2;
	v3 =	vunpack.c.0.s8.s32 v3;
	s11 =	sand.u32 $0x380, s11  }
0xc: {  	v5 =	vlaneseq.u32;
	s7 =	sadd.s32 $0x2000, s9;
	s13 =	sshrl.u32 s31, $0x1;
	v1 =	vunpack.c.0.s8.s32 v1;
	s11 =	sor.u32 s12, s11  }
0xd: {  	vm0 =	vcmask $0x3F3C;
	s8 =	sadd.s32 $0x99400, s9;
	v4 =	vunpack.c.0.s8.s32 v0;
	s12 =	ssub.s32 s31, s13;
	v3 =	vcombine.low v3, v2;
	s11 =	sshrl.u32 s11, $0x3  }
0xe: {  	v0 =	vimm.f32 $0.0e+00;
	s13 =	simm.s32 $0x1;
	v1 =	vand.u32 $0xF, v1;
	v2 =	vor.u32 $0x80000000, v5;
	s12 =	smax.u32 s12, $0x1;
	s11 =	sadd.s32 s11, s9  }
0xf: {  	v1 =	vcombine.low v4, v1;
	v4 =	vadd.s32 $0x1, v5;
	s9 =	smul.u32 $0x5, s10;
	v3 =	vand.u32 $0xF, v3;
	s10 =	sadd.s32 $0xCAA00, s11;
	s11 =	sadd.s32 $0xFB800, s11  }
.LBB2_1:
0x10: {  	[tilespmem:s3], [sflag:$0x1] =	stream.linear.gather [hbm4b:s2+s3], $0x3E8, $0x38;
	[tilespmem:$0x1DA00] =	vst v63  }
0x11: {  	_ =	swait.ge [sflag:s13], $0x3E8  }
0x12: {  	[sflag:s13] =	ssyncset.done $0x0  }
0x13: {  	[sflag:s13] =	ssyncadd.s32 $0xFFFFFC18  }
0x14: {  	[tilespmem:s14], [sflag:$0x1] =	stream.linear.gather [hbm4b:s7+s3], $0x18700, $0x38;
	[tilespmem:$0x1DA00] =	vst v63  }
0x15: {  	_ =	swait.ge [sflag:s13], $0x18700  }
0x16: {  	[sflag:s13] =	ssyncset.done $0x0  }
0x17: {  	s22 =	simm.s32 $0x0;
	[sflag:s13] =	ssyncadd.s32 $0xFFFE7900  }
.LBB2_2:
0x18: {  	s23 =	sadd.s32 s9, s22  }
0x19: {  	s24 =	sshrl.u32 s23, $0x3  }
0x1a: {  	s23 =	sshll.u32 s23, $0x7;
	s24 =	smul.u32 $0x13C00, s24  }
0x1b: {  	s23 =	sand.u32 $0x380, s23  }
0x1c: {  	s23 =	sor.u32 s23, s24  }
0x1d: {  	s23 =	sshrl.u32 s23, $0x3  }
0x1e: {  	s29 =	sadd.s32 s4, s23  }
0x1f: {  	[tilespmem:s16], [sflag:$0x1] =	stream.strided.gather [hbm4b:s29+s15], $0x2780, s14, s15, $0x38;
	[tilespmem:$0x1DA00] =	vst v63  }
0x20: {  	_ =	swait.ge [sflag:s13], $0x2780  }
0x21: {  	[sflag:s13] =	ssyncset.done $0x0  }
0x22: {  	s30 =	sadd.s32 s5, s23;
	[sflag:s13] =	ssyncadd.s32 $0xFFFFD880  }
0x23: {  	[tilespmem:s17], [sflag:$0x1] =	stream.strided.gather [hbm4b:s30+s15], $0x2780, s14, s15, $0x38;
	[tilespmem:$0x1DA00] =	vst v63  }
0x24: {  	_ =	swait.ge [sflag:s13], $0x2780  }
0x25: {  	[sflag:s13] =	ssyncset.done $0x0  }
0x26: {  	s31 =	simm.s32 $0x18B40;
	[sflag:s13] =	ssyncadd.s32 $0xFFFFD880  }
0x27: {  	v5 =	vld [tilespmem:s31+$0xFFFFFFC0]  }
0x28: {  	v6 =	vld [tilespmem:s31+$0xFFFFFFD0]  }
0x29: {  	v7 =	vld [tilespmem:s31+$0xFFFFFFE0]  }
0x2a: {  	v8 =	vld [tilespmem:s31+$0x0]  }
0x2b: {  	v9 =	vld [tilespmem:s31+$0x10]  }
0x2c: {  	v10 =	vld [tilespmem:s31+$0x20]  }
0x2d: {  	v11 =	vld [tilespmem:s31+$0xFFFFFFF0]  }
0x2e: {  	s24 =	simm.s32 $0x1B2C0;
	v12 =	vld [tilespmem:s31+$0x30]  }
0x2f: {  	v14 =	vld [tilespmem:s24+$0xFFFFFFD0]  }
0x30: {  	v15 =	vld [tilespmem:s24+$0xFFFFFFE0]  }
0x31: {  	v16 =	vld [tilespmem:s24+$0x0]  }
0x32: {  	v17 =	vld [tilespmem:s24+$0x10]  }
0x33: {  	v18 =	vld [tilespmem:s24+$0x20]  }
0x34: {  	v19 =	vld [tilespmem:s24+$0x30]  }
0x35: {  	s25 =	simm.s32 $0x18BC0;
	v21 =	vld [tilespmem:s24+$0xFFFFFFF0]  }
0x36: {  	v22 =	vld [tilespmem:s25+$0xFFFFFFD0]  }
0x37: {  	v23 =	vld [tilespmem:s25+$0xFFFFFFE0]  }
0x38: {  	v24 =	vld [tilespmem:s25+$0x0]  }
0x39: {  	v25 =	vld [tilespmem:s25+$0x10]  }
0x3a: {  	v26 =	vld [tilespmem:s25+$0x20]  }
0x3b: {  	v27 =	vld [tilespmem:s25+$0xFFFFFFF0]  }
0x3c: {  	v13 =	vld.idx.msk [tilespmem:v5+s3+$0x0], $0xffff  }
0x3d: {  	v6 =	vld.idx.msk [tilespmem:v6+s3+$0x0], $0xffff  }
0x3e: {  	v7 =	vld.idx.msk [tilespmem:v7+s3+$0x0], $0xffff  }
0x3f: {  	v8 =	vld.idx.msk [tilespmem:v8+s3+$0x0], $0xffff  }
0x40: {  	v9 =	vld.idx.msk [tilespmem:v9+s3+$0x0], $0xffff  }
0x41: {  	v10 =	vld.idx.msk [tilespmem:v10+s3+$0x0], $0xffff  }
0x42: {  	v5 =	vld [tilespmem:s24+$0xFFFFFFC0]  }
0x43: {  	v12 =	vld.idx.msk [tilespmem:v12+s3+$0x0], $0xffff  }
0x44: {  	v14 =	vld.idx.msk [tilespmem:v14+s14+$0x0], $0xffff  }
0x45: {  	v15 =	vld.idx.msk [tilespmem:v15+s14+$0x0], $0xffff  }
0x46: {  	v16 =	vld.idx.msk [tilespmem:v16+s14+$0x0], $0xffff  }
0x47: {  	v17 =	vld.idx.msk [tilespmem:v17+s14+$0x0], $0xffff  }
0x48: {  	v18 =	vld.idx.msk [tilespmem:v18+s14+$0x0], $0xffff  }
0x49: {  	v19 =	vld.idx.msk [tilespmem:v19+s14+$0x0], $0xffff  }
0x4a: {  	v20 =	vld.idx.msk [tilespmem:v5+s14+$0x0], $0xffff  }
0x4b: {  	v6 =	vadd.f32 v14, v6;
	v5 =	vld.idx.msk [tilespmem:v11+s3+$0x0], $0xffff  }
0x4c: {  	v7 =	vadd.f32 v15, v7;
	v11 =	vld [tilespmem:s25+$0xFFFFFFC0]  }
0x4d: {  	v28 =	vld [tilespmem:s25+$0x30];
	[tilespmem:s24+$0xFFFFFFD0] =	vst v6;
	v6 =	vadd.f32 v16, v8  }
0x4e: {  	v14 =	vld.idx.msk [tilespmem:v22+s3+$0x0], $0xffff;
	[tilespmem:s24+$0xFFFFFFE0] =	vst v7;
	v8 =	vadd.f32 v17, v9  }
0x4f: {  	v15 =	vld.idx.msk [tilespmem:v23+s3+$0x0], $0xffff;
	v9 =	vadd.f32 v18, v10;
	[tilespmem:s24+$0x0] =	vst v6  }
0x50: {  	v16 =	vld.idx.msk [tilespmem:v24+s3+$0x0], $0xffff;
	[tilespmem:s24+$0x10] =	vst v8;
	v8 =	vadd.f32 v19, v12  }
0x51: {  	v7 =	vld.idx.msk [tilespmem:v25+s3+$0x0], $0xffff;
	[tilespmem:s24+$0x20] =	vst v9  }
0x52: {  	s25 =	simm.s32 $0x1B340;
	v6 =	vld.idx.msk [tilespmem:v26+s3+$0x0], $0xffff;
	[tilespmem:s24+$0x30] =	vst v8;
	v13 =	vadd.f32 v20, v13  }
0x53: {  	v12 =	vld [tilespmem:s25+$0x0]  }
0x54: {  	[tilespmem:s24+$0xFFFFFFC0] =	vst v13;
	v62 =	vld.idx.msk [tilespmem:v11+s3+$0x0], $0xffff  }
0x55: {  	v10 =	vld [tilespmem:s25+$0xFFFFFFC0]  }
0x56: {  	v9 =	vld [tilespmem:s25+$0xFFFFFFD0]  }
0x57: {  	v11 =	vld [tilespmem:s25+$0xFFFFFFE0]  }
0x58: {  	v13 =	vld [tilespmem:s25+$0x10]  }
0x59: {  	v8 =	vld.idx.msk [tilespmem:v28+s3+$0x0], $0xffff  }
0x5a: {  	v17 =	vld [tilespmem:s25+$0x20]  }
0x5b: {  	v18 =	vld [tilespmem:s25+$0x30]  }
0x5c: {  	v63 =	vld.idx.msk [tilespmem:v12+s14+$0x0], $0xffff  }
0x5d: {  	v10 =	vld.idx.msk [tilespmem:v10+s14+$0x0], $0xffff  }
0x5e: {  	v9 =	vld.idx.msk [tilespmem:v9+s14+$0x0], $0xffff  }
0x5f: {  	v19 =	vld.idx.msk [tilespmem:v11+s14+$0x0], $0xffff  }
0x60: {  	v12 =	vld.idx.msk [tilespmem:v13+s14+$0x0], $0xffff  }
0x61: {  	v13 =	vld [tilespmem:s25+$0xFFFFFFF0]  }
0x62: {  	v11 =	vld.idx.msk [tilespmem:v17+s14+$0x0], $0xffff;
	v17 =	vadd.f32 v10, v62  }
0x63: {  	v10 =	vld.idx.msk [tilespmem:v18+s14+$0x0], $0xffff;
	v14 =	vadd.f32 v9, v14  }
0x64: {  	v9 =	vld.idx.msk [tilespmem:v27+s3+$0x0], $0xffff;
	v15 =	vadd.f32 v19, v15;
	[tilespmem:s25+$0xFFFFFFC0] =	vst v17  }
0x65: {  	s26 =	simm.s32 $0x8;
	s28 =	simm.s32 $0x18C40;
	v16 =	vadd.f32 v63, v16;
	[tilespmem:s25+$0xFFFFFFD0] =	vst v14;
	v14 =	vld.idx.msk [tilespmem:v21+s14+$0x0], $0xffff  }
.LBB2_3:
0x66: {  	v17 =	vld [tilespmem:s28+$0xFFFFFFC0];
	[tilespmem:s25+$0xFFFFFFE0] =	vst v15;
	v7 =	vadd.f32 v12, v7  }
0x67: {  	v6 =	vadd.f32 v11, v6;
	v12 =	vld [tilespmem:s28+$0xFFFFFFD0];
	[tilespmem:s25+$0x0] =	vst v16  }
0x68: {  	v11 =	vld [tilespmem:s28+$0xFFFFFFE0];
	[tilespmem:s25+$0x10] =	vst v7;
	v7 =	vadd.f32 v10, v8;
	v18 =	vmov v13  }
0x69: {  	v8 =	vld [tilespmem:s28+$0x0];
	[tilespmem:s25+$0x20] =	vst v6  }
0x6a: {  	v6 =	vld [tilespmem:s28+$0x10];
	[tilespmem:s25+$0x30] =	vst v7  }
0x6b: {  	v7 =	vadd.f32 v14, v5;
	v5 =	vmov v9;
	v10 =	vld [tilespmem:s28+$0x20]  }
0x6c: {  	v9 =	vld [tilespmem:s28+$0xFFFFFFF0]  }
0x6d: {  	v13 =	vld [tilespmem:s28+$0x30];
	[tilespmem:s24+$0xFFFFFFF0] =	vst v7;
	s24 =	smov.u32 s25  }
0x6e: {  	v14 =	vld.idx.msk [tilespmem:v17+s3+$0x0], $0xffff  }
0x6f: {  	v15 =	vld.idx.msk [tilespmem:v12+s3+$0x0], $0xffff  }
0x70: {  	v16 =	vld.idx.msk [tilespmem:v11+s3+$0x0], $0xffff  }
0x71: {  	v17 =	vld.idx.msk [tilespmem:v8+s3+$0x0], $0xffff  }
0x72: {  	v7 =	vld.idx.msk [tilespmem:v6+s3+$0x0], $0xffff  }
0x73: {  	s25 =	sadd.s32 $0x80, s25;
	v6 =	vld.idx.msk [tilespmem:v10+s3+$0x0], $0xffff  }
0x74: {  	v10 =	vld [tilespmem:s25+$0xFFFFFFC0]  }
0x75: {  	v11 =	vld [tilespmem:s25+$0xFFFFFFD0]  }
0x76: {  	v12 =	vld [tilespmem:s25+$0xFFFFFFE0]  }
0x77: {  	v19 =	vld [tilespmem:s25+$0x0]  }
0x78: {  	v20 =	vld [tilespmem:s25+$0x10]  }
0x79: {  	v21 =	vld [tilespmem:s25+$0x20]  }
0x7a: {  	s26 =	sadd.s32 $0x8, s26;
	v22 =	vld [tilespmem:s25+$0x30]  }
0x7b: {  	p0 =	slt.u32 s26, $0x268;
	v8 =	vld.idx.msk [tilespmem:v13+s3+$0x0], $0xffff  }
0x7c: {  	v10 =	vld.idx.msk [tilespmem:v10+s14+$0x0], $0xffff  }
0x7d: {  	v13 =	vld.idx.msk [tilespmem:v11+s14+$0x0], $0xffff  }
0x7e: {  	v23 =	vld.idx.msk [tilespmem:v12+s14+$0x0], $0xffff  }
0x7f: {  	v19 =	vld.idx.msk [tilespmem:v19+s14+$0x0], $0xffff  }
0x80: {  	v12 =	vld.idx.msk [tilespmem:v20+s14+$0x0], $0xffff  }
.Ltmp0:
0x81: {  	v11 =	vld.idx.msk [tilespmem:v21+s14+$0x0], $0xffff;
	(pc) =	sbr.rel @p0 .LBB2_3-.Ltmp0, $4  }
0x82: {  	v14 =	vadd.f32 v10, v14;
	v10 =	vld.idx.msk [tilespmem:v22+s14+$0x0], $0xffff  }
0x83: {  	v20 =	vadd.f32 v13, v15;
	v13 =	vld [tilespmem:s25+$0xFFFFFFF0]  }
0x84: {  	v15 =	vadd.f32 v23, v16;
	[tilespmem:s25+$0xFFFFFFC0] =	vst v14;
	v9 =	vld.idx.msk [tilespmem:v9+s3+$0x0], $0xffff  }
0x85: {  	s28 =	sadd.s32 $0x80, s28;
	v16 =	vadd.f32 v19, v17;
	[tilespmem:s25+$0xFFFFFFD0] =	vst v20;
	v14 =	vld.idx.msk [tilespmem:v18+s14+$0x0], $0xffff  }
0x86: {  	_ =	sdelay $0x5  }
0x87: {  	v13 =	vld.idx.msk [tilespmem:v13+s14+$0x0], $0xffff  }
0x88: {  	[tilespmem:s25+$0xFFFFFFE0] =	vst v15;
	v7 =	vadd.f32 v12, v7  }
0x89: {  	v6 =	vadd.f32 v11, v6;
	[tilespmem:s25+$0x0] =	vst v16  }
0x8a: {  	[tilespmem:s25+$0x10] =	vst v7;
	v7 =	vadd.f32 v10, v8  }
0x8b: {  	[tilespmem:s25+$0x20] =	vst v6;
	v5 =	vadd.f32 v14, v5  }
0x8c: {  	[tilespmem:s25+$0x30] =	vst v7;
	v6 =	vadd.f32 v13, v9  }
0x8d: {  	[tilespmem:s24+$0xFFFFFFF0] =	vst v5  }
0x8e: {  	v5 =	vld [tilespmem:$0x1B200];
	[tilespmem:s25+$0xFFFFFFF0] =	vst v6  }
0x8f: {  	v6 =	vld [tilespmem:$0x1D980];
	_ =	sdelay $0x6  }
0x90: {  	v5 =	vld.idx.msk [tilespmem:v5+s3+$0x0], $0xffff  }
0x91: {  	v6 =	vld.idx.msk [tilespmem:v6+s14+$0x0], $0xffff;
	_ =	sdelay $0x4  }
0x92: {  	s22 =	sadd.s32 $0x1, s22;
	v5 =	vadd.f32 v6, v5  }
0x93: {  	p0 =	sne.s32 s22, $0x5  }
.Ltmp1:
0x94: {  	s23 =	sadd.s32 s8, s23;
	[tilespmem:$0x1D980] =	vst v5;
	(pc) =	sbr.rel @p0 .LBB2_2-.Ltmp1, $4  }
0x95: {  	[hbm4b:s23+s15] =	stream.strided.scatter [tilespmem:s17], [sflag:$0x1], $0x2780, s14, s15, $0x38;
	[tilespmem:$0x1DA00] =	vst v63  }
0x96: {  	_ =	swait.ge [sflag:s13], $0x2780  }
0x97: {  	[sflag:s13] =	ssyncset.done $0x0  }
0x98: {  	[sflag:s13] =	ssyncadd.s32 $0xFFFFD880  }
0x99: {  	s23 =	simm.s32 $0x40  }
0x9a: {  	s22 =	simm.s32 $0xC3C0;
	[tilespmem:s23+$0xFFFFFFC0] =	vst v0  }
0x9b: {  	[tilespmem:s22+$0x30] =	vst v0  }
0x9c: {  	[tilespmem:s23+$0x30] =	vst v0  }
0x9d: {  	[tilespmem:s22+$0x20] =	vst v0  }
0x9e: {  	[tilespmem:s23+$0x20] =	vst v0  }
0x9f: {  	[tilespmem:s22+$0x10] =	vst v0  }
0xa0: {  	[tilespmem:s23+$0x10] =	vst v0  }
0xa1: {  	[tilespmem:s22+$0x0] =	vst v0  }
0xa2: {  	[tilespmem:s23+$0x0] =	vst v0  }
0xa3: {  	[tilespmem:s22+$0xFFFFFFF0] =	vst v0  }
0xa4: {  	[tilespmem:s23+$0xFFFFFFF0] =	vst v0  }
0xa5: {  	[tilespmem:s22+$0xFFFFFFE0] =	vst v0  }
0xa6: {  	[tilespmem:s23+$0xFFFFFFE0] =	vst v0  }
0xa7: {  	[tilespmem:s22+$0xFFFFFFD0] =	vst v0  }
0xa8: {  	s24 =	simm.s32 $0x0;
	[tilespmem:s23+$0xFFFFFFD0] =	vst v0  }
.LBB2_6:
0xa9: {  	s24 =	sadd.s32 $0x8, s24;
	[tilespmem:s22+$0xFFFFFFC0] =	vst v0;
	s23 =	sadd.s32 $0x80, s23;
	s22 =	sadd.s32 $0x80, s22  }
0xaa: {  	[tilespmem:s23+$0xFFFFFFC0] =	vst v0;
	p0 =	slt.u32 s24, $0xC28  }
0xab: {  	[tilespmem:s22+$0x30] =	vst v0  }
0xac: {  	[tilespmem:s23+$0x30] =	vst v0  }
0xad: {  	[tilespmem:s22+$0x20] =	vst v0  }
0xae: {  	[tilespmem:s23+$0x20] =	vst v0  }
0xaf: {  	[tilespmem:s22+$0x10] =	vst v0  }
0xb0: {  	[tilespmem:s23+$0x10] =	vst v0  }
0xb1: {  	[tilespmem:s22+$0x0] =	vst v0  }
0xb2: {  	[tilespmem:s23+$0x0] =	vst v0  }
0xb3: {  	[tilespmem:s22+$0xFFFFFFF0] =	vst v0  }
.Ltmp2:
0xb4: {  	[tilespmem:s23+$0xFFFFFFF0] =	vst v0;
	(pc) =	sbr.rel @p0 .LBB2_6-.Ltmp2, $4  }
0xb5: {  	[tilespmem:s22+$0xFFFFFFE0] =	vst v0  }
0xb6: {  	[tilespmem:s23+$0xFFFFFFE0] =	vst v0  }
0xb7: {  	[tilespmem:s22+$0xFFFFFFD0] =	vst v0  }
0xb8: {  	[tilespmem:s23+$0xFFFFFFD0] =	vst v0  }
0xb9: {  	[tilespmem:s22+$0xFFFFFFC0] =	vst v0  }
0xba: {  	[tilespmem:$0xC300] =	vst v0  }
0xbb: {  	[tilespmem:$0xC310] =	vst v0  }
0xbc: {  	[tilespmem:$0xC320] =	vst v0  }
0xbd: {  	[tilespmem:$0xC330] =	vst v0  }
0xbe: {  	[tilespmem:$0xC340] =	vst v0  }
0xbf: {  	[tilespmem:$0x18680] =	vst v0  }
0xc0: {  	[tilespmem:$0x18690] =	vst v0  }
0xc1: {  	[tilespmem:$0x186A0] =	vst v0  }
0xc2: {  	[tilespmem:$0x186B0] =	vst v0  }
0xc3: {  	s22 =	simm.s32 $0x0;
	[tilespmem:$0x186C0] =	vst v0  }
.LBB2_8:
0xc4: {  	s23 =	sadd.s32 s9, s22  }
0xc5: {  	s24 =	sshrl.u32 s23, $0x3  }
0xc6: {  	s23 =	sshll.u32 s23, $0x7;
	s24 =	smul.u32 $0x13C00, s24  }
0xc7: {  	s23 =	sand.u32 $0x380, s23  }
0xc8: {  	s23 =	sor.u32 s23, s24  }
0xc9: {  	s23 =	sshrl.u32 s23, $0x3  }
0xca: {  	s26 =	sadd.s32 s6, s23  }
0xcb: {  	[tilespmem:s18], [sflag:$0x1] =	stream.strided.gather [hbm4b:s26+s15], $0x2780, s14, s15, $0x38;
	[tilespmem:$0x1DA00] =	vst v63  }
0xcc: {  	_ =	swait.ge [sflag:s13], $0x2780  }
0xcd: {  	[sflag:s13] =	ssyncset.done $0x0  }
0xce: {  	s23 =	sadd.s32 s8, s23;
	[sflag:s13] =	ssyncadd.s32 $0xFFFFD880  }
0xcf: {  	[tilespmem:s19], [sflag:$0x1] =	stream.strided.gather [hbm4b:s23+s15], $0x2780, s14, s15, $0x38;
	[tilespmem:$0x1DA00] =	vst v63  }
0xd0: {  	_ =	swait.ge [sflag:s13], $0x2780  }
0xd1: {  	[sflag:s13] =	ssyncset.done $0x0  }
0xd2: {  	s28 =	simm.s32 $0x18720;
	[sflag:s13] =	ssyncadd.s32 $0xFFFFD880  }
0xd3: {  	v15 =	vld [tilespmem:s28+$0xFFFFFFE0]  }
0xd4: {  	v5 =	vld [tilespmem:s28+$0x20];
	_ =	sdelay $0x1  }
0xd5: {  	v6 =	vld [tilespmem:s28+$0x10]  }
0xd6: {  	v18 =	vld [tilespmem:s28+$0x0]  }
0xd7: {  	s29 =	simm.s32 $0x1AEA0;
	v14 =	vld [tilespmem:s28+$0xFFFFFFF0];
	v7 =	vperm.xlane v15, v1  }
0xd8: {  	v8 =	vld [tilespmem:s29+$0x10];
	v9 =	vperm.xlane v5, v1  }
0xd9: {  	vm1 =	veq.s32 v15, v7  }
0xda: {  	v10 =	vperm.xlane v6, v1;
	v7 =	vsel vm1, $0x80000000, v2;
	vm1 =	veq.s32 v5, v9  }
0xdb: {  	(xrf0) =	vmax.scan.msk.u32 $0xffff, v7;
	v7 =	vperm.xlane v18, v1;
	v9 =	vsel vm1, $0x80000000, v2  }
0xdc: {  	v11 =	vperm.xlane v14, v1;
	vm1 =	veq.s32 v6, v10;
	(xrf0) =	vmax.scan.msk.u32 $0xffff, v9;
	v9 =	vld [tilespmem:s29+$0xFFFFFFF0]  }
0xdd: {  	(xrf2) =	vadd.scan.msk.f32 $0xffff, v8;
	vm2 =	veq.s32 v18, v7;
	v7 =	vsel vm1, $0x80000000, v2  }
0xde: {  	vm1 =	veq.s32 v14, v11;
	v8 =	vsel vm2, $0x80000000, v2;
	(xrf0) =	vmax.scan.msk.u32 $0xffff, v7  }
0xdf: {  	v12 =	vperm.xlane v14, v3;
	v11 =	vperm.xlane v18, v3;
	v7 =	vsel vm1, $0x80000000, v2;
	(xrf0) =	vmax.scan.msk.u32 $0xffff, v8  }
0xe0: {  	(xrf0) =	vmax.scan.msk.u32 $0xffff, v7;
	v7 =	vperm.xlane v15, v3  }
0xe1: {  	vm1 =	vne.s32 v14, v12;
	v8 =	vld [tilespmem:s29+$0xFFFFFFE0];
	vm3 =	vne.s32 v18, v11;
	(xrf2) =	vadd.scan.msk.f32 $0xffff, v9  }
0xe2: {  	vm8 =	vmmov vm1;
	v10, _, _ =	vpop (xrf0);
	v9 =	vperm.xlane v6, v3;
	vm2 =	vne.s32 v15, v7  }
0xe3: {  	v7 =	vperm.xlane v5, v3;
	v13, _, _ =	vpop (xrf0);
	v26 =	vadd.s32 $0x7FFFFFFF, v10;
	v10 =	vxor.u32 $0x80000000, v10  }
0xe4: {  	v11 =	vadd.s32 $0x7FFFFFFF, v13;
	vm6 =	vne.s32 v6, v9;
	v22 =	vxor.u32 $0x80000000, v13;
	v12, _, _ =	vpop (xrf0)  }
0xe5: {  	vm4 =	vgt.s32 v11, $0x0;
	v21 =	vsub.s32 v4, v22;
	v9 =	vxor.u32 $0x80000000, v12;
	v17, _, _ =	vpop (xrf0)  }
0xe6: {  	(xrf2) =	vadd.scan.msk.f32 $0xffff, v8;
	v8 =	vadd.s32 $0x7FFFFFFF, v12;
	v20 =	vnsel vm4, $0x0, v11;
	v11 =	vadd.s32 $0x7FFFFFFF, v17;
	v12, _, _ =	vpop (xrf0)  }
0xe7: {  	vm4 =	vgt.s32 v8, $0x0;
	v16 =	vxor.u32 $0x80000000, v12;
	v12 =	vadd.s32 $0x7FFFFFFF, v12  }
0xe8: {  	v19, _, _ =	vpop (xrf2);
	vm5 =	vgt.s32 v11, $0x0;
	v8 =	vnsel vm4, $0x0, v8;
	vm7 =	vgt.s32 v12, $0x0  }
0xe9: {  	v27 =	vld [tilespmem:s29+$0x20];
	v8 =	vperm.xlane v19, v8;
	v23 =	vnsel vm5, $0x0, v11;
	v11 =	vsub.s32 v4, v16  }
0xea: {  	s30 =	simm.s32 $0x18770;
	v13 =	vld [tilespmem:s29+$0x0];
	vm4 =	vgt.s32 v9, $0x0;
	v12 =	vnsel vm7, $0x0, v12;
	v24 =	vcvt.s32.f32 v11  }
0xeb: {  	v11 =	vld [tilespmem:s30+$0xFFFFFFE0];
	v25 =	vnsel vm4, $0x0, v8;
	v8 =	vcvt.s32.f32 v21;
	v21 =	vsub.s32 v4, v9;
	v9, _, _ =	vpop (xrf2)  }
0xec: {  	vm1 =	vgt.s32 v10, $0x0;
	v10 =	vsub.s32 v4, v10;
	v12 =	vperm.xlane v9, v12  }
0xed: {  	vm8 =	vmor vm8, vm0;
	v30 =	vcvt.s32.f32 v10;
	v10 =	vld [tilespmem:s30+$0xFFFFFFF0];
	vm5 =	vgt.s32 v16, $0x0  }
0xee: {  	vm2 =	vmmov vm2;
	vm4 =	vne.s32 v5, v7;
	v7 =	vld [tilespmem:s30+$0x20];
	v12 =	vnsel vm5, $0x0, v12  }
0xef: {  	vm9 =	vmor vm2, vm0;
	vm6 =	vmor vm6, vm0;
	(xrf2) =	vadd.scan.msk.f32 $0xffff, v13;
	v28 =	vsub.f32 v9, v12;
	v12 =	vld [tilespmem:s30+$0x10]  }
0xf0: {  	vm14 =	vgt.s32 v22, $0x0;
	v17 =	vxor.u32 $0x80000000, v17;
	(xrf2) =	vadd.scan.msk.f32 $0xffff, v27;
	v13 =	vperm.xlane v11, v1;
	v9 =	vld [tilespmem:s30+$0x0]  }
0xf1: {  	vm7 =	vmmov vm3;
	vm3 =	vgt.s32 v26, $0x0;
	v29 =	vperm.xlane v11, v3  }
0xf2: {  	s31 =	simm.s32 $0x1AEF0;
	vm11 =	vgt.s32 v17, $0x0;
	v16 =	vnsel vm3, $0x0, v26;
	vm3 =	veq.s32 v11, v13  }
0xf3: {  	v27 =	vld [tilespmem:s31+$0x10];
	v31 =	vsel vm3, $0x80000000, v2;
	vm3 =	vne.s32 v11, v29;
	v29 =	vperm.xlane v7, v1  }
0xf4: {  	v17 =	vsub.s32 v4, v17;
	v34 =	vperm.xlane v10, v1;
	v13 =	vcvt.s32.f32 v21  }
0xf5: {  	(xrf0) =	vmax.scan.msk.u32 $0xffff, v31;
	vm2 =	veq.s32 v7, v29;
	v21 =	vperm.xlane v12, v1;
	v29 =	vperm.xlane v9, v1  }
0xf6: {  	v35 =	vperm.xlane v10, v3;
	vm7 =	vmor vm7, vm0;
	v33 =	vsel vm2, $0x80000000, v2  }
0xf7: {  	[tilespmem:v15+s20+$0x0] =	vst.idx.add.f32.msk vm9, v30;
	v30 =	vcvt.s32.f32 v17;
	v26, _, _ =	vpop (xrf2);
	(xrf0) =	vmax.scan.msk.u32 $0xffff, v33;
	vm2 =	veq.s32 v12, v21  }
0xf8: {  	v57 =	vld [tilespmem:s31+$0xFFFFFFF0];
	v16 =	vperm.xlane v26, v16;
	(xrf2) =	vadd.scan.msk.f32 $0xffff, v27;
	vm10 =	veq.s32 v9, v29;
	v21 =	vsel vm2, $0x80000000, v2  }
0xf9: {  	[tilespmem:v14+s20+$0x0] =	vst.idx.add.f32.msk vm8, v24;
	vm2 =	veq.s32 v10, v34;
	v27 =	vsel vm10, $0x80000000, v2;
	(xrf0) =	vmax.scan.msk.u32 $0xffff, v21;
	v29, _, _ =	vpop (xrf2)  }
0xfa: {  	v16 =	vnsel vm1, $0x0, v16;
	vm1 =	vmor vm4, vm0;
	v58 =	vsel vm2, $0x80000000, v2;
	(xrf0) =	vmax.scan.msk.u32 $0xffff, v27;
	v22, _, _ =	vpop (xrf2)  }
0xfb: {  	v26 =	vsub.f32 v26, v16;
	v16 =	vperm.xlane v7, v3;
	v31 =	vperm.xlane v12, v3;
	v27 =	vld [tilespmem:s31+$0xFFFFFFE0];
	v21, _, _ =	vpop (xrf0);
	(xrf0) =	vmax.scan.msk.u32 $0xffff, v58  }
0xfc: {  	vm4 =	vne.s32 v10, v35;
	v23 =	vperm.xlane v29, v23;
	v20 =	vperm.xlane v22, v20  }
0xfd: {  	v32 =	vperm.xlane v9, v3;
	vm2 =	vne.s32 v12, v31;
	v31 =	vsub.f32 v19, v25;
	(xrf2) =	vadd.scan.msk.f32 $0xffff, v57;
	v59, _, _ =	vpop (xrf0)  }
0xfe: {  	[tilespmem:v18+s20+$0x0] =	vst.idx.add.f32.msk vm7, v30;
	v23 =	vnsel vm11, $0x0, v23;
	v60 =	vadd.s32 $0x7FFFFFFF, v59;
	v20 =	vnsel vm14, $0x0, v20  }
0xff: {  	[tilespmem:v15+s3+$0x0] =	vst.idx.add.f32.msk vm9, v26;
	v23 =	vsub.f32 v29, v23;
	vm15 =	vgt.s32 v60, $0x0;
	v62 =	vsub.f32 v22, v20;
	v17, _, _ =	vpop (xrf0)  }
0x100: {  	v22 =	vxor.u32 $0x80000000, v59;
	(xrf2) =	vadd.scan.msk.f32 $0xffff, v27;
	v25 =	vxor.u32 $0x80000000, v17;
	v29 =	vadd.s32 $0x7FFFFFFF, v17;
	v17, _, _ =	vpop (xrf0)  }
0x101: {  	v26 =	vld [tilespmem:s31+$0x20];
	vm5 =	vne.s32 v9, v32;
	v15 =	vnsel vm15, $0x0, v60;
	v32 =	vsub.s32 v4, v22;
	v61, _, _ =	vpop (xrf0)  }
0x102: {  	[tilespmem:v14+s3+$0x0] =	vst.idx.add.f32.msk vm8, v28;
	v27 =	vadd.s32 $0x7FFFFFFF, v17;
	vm12 =	vgt.s32 v29, $0x0;
	v28 =	vxor.u32 $0x80000000, v61  }
0x103: {  	v19 =	vld [tilespmem:s31+$0x0];
	v20, _, _ =	vpop (xrf2);
	v33 =	vadd.s32 $0x7FFFFFFF, v61;
	vm13 =	vgt.s32 v27, $0x0;
	v63 =	vnsel vm12, $0x0, v29  }
0x104: {  	[tilespmem:v18+s3+$0x0] =	vst.idx.add.f32.msk vm7, v23;
	vm14 =	vgt.s32 v33, $0x0;
	v23 =	vnsel vm13, $0x0, v27;
	v27 =	vperm.xlane v20, v63  }
0x105: {  	[tilespmem:v6+s3+$0x0] =	vst.idx.add.f32.msk vm6, v31;
	vm15 =	vgt.s32 v25, $0x0;
	v31 =	vsub.s32 v4, v28;
	v29 =	vnsel vm14, $0x0, v33  }
0x106: {  	s25 =	simm.s32 $0x1AF40;
	s24 =	simm.s32 $0x187C0;
	s23 =	simm.s32 $0x5;
	[tilespmem:v5+s3+$0x0] =	vst.idx.add.f32.msk vm1, v62;
	v14 =	vcvt.s32.f32 v31;
	v24 =	vnsel vm15, $0x0, v27;
	v27 =	vcvt.s32.f32 v32  }
.LBB2_9:
0x107: {  	v18 =	vld [tilespmem:s24+$0xFFFFFFE0];
	s23 =	sadd.s32 $0x5, s23;
	v25 =	vsub.s32 v4, v25;
	vm10 =	vne.s32 v7, v16;
	v16, _, _ =	vpop (xrf2);
	vm9 =	vmmov vm3  }
0x108: {  	v30 =	vadd.s32 $0x7FFFFFFF, v21;
	vm7 =	vmmov vm5;
	p0 =	slt.u32 s23, $0x26C;
	v29 =	vperm.xlane v16, v29;
	[tilespmem:v6+s20+$0x0] =	vst.idx.add.f32.msk vm6, v13;
	v6 =	vmovc v12  }
0x109: {  	vm5 =	vgt.s32 v28, $0x0;
	vm8 =	vmmov vm4;
	vm3 =	vgt.s32 v30, $0x0;
	[tilespmem:v5+s20+$0x0] =	vst.idx.add.f32.msk vm1, v8;
	v5 =	vmovc v7;
	v8 =	vmovc v27  }
0x10a: {  	v12 =	vnsel vm3, $0x0, v30;
	v7 =	vld [tilespmem:s24+$0x20];
	v13 =	vnsel vm5, $0x0, v29;
	v27, _, _ =	vpop (xrf2)  }
0x10b: {  	v21 =	vxor.u32 $0x80000000, v21;
	v28 =	vld [tilespmem:s25+$0x10];
	v29 =	vperm.xlane v27, v12;
	v30 =	vsub.f32 v16, v13;
	(xrf2) =	vadd.scan.msk.f32 $0xffff, v19  }
0x10c: {  	vm1 =	vgt.s32 v21, $0x0;
	v16 =	vsub.s32 v4, v21;
	v13 =	vperm.xlane v18, v1;
	v12 =	vld [tilespmem:s24+$0x10]  }
0x10d: {  	v19 =	vperm.xlane v18, v3;
	v31 =	vld [tilespmem:s24+$0x0];
	v21 =	vnsel vm1, $0x0, v29;
	v29 =	vcvt.s32.f32 v16  }
0x10e: {  	vm1 =	vmor vm10, vm0;
	vm3 =	veq.s32 v18, v13;
	v32 =	vld [tilespmem:s24+$0xFFFFFFF0];
	v27 =	vsub.f32 v27, v21;
	(xrf2) =	vadd.scan.msk.f32 $0xffff, v26  }
0x10f: {  	v13 =	vsel vm3, $0x80000000, v2;
	vm3 =	vne.s32 v18, v19;
	v21 =	vperm.xlane v7, v1  }
0x110: {  	vm9 =	vmor vm9, vm0;
	v16 =	vperm.xlane v7, v3;
	v19 =	vld [tilespmem:s25+$0x0];
	(xrf0) =	vmax.scan.msk.u32 $0xffff, v13;
	v13 =	vcvt.s32.f32 v25  }
0x111: {  	v33 =	vld [tilespmem:s25+$0xFFFFFFE0];
	v25 =	vperm.xlane v12, v1;
	v26 =	vperm.xlane v12, v3;
	vm4 =	veq.s32 v7, v21  }
0x112: {  	v21 =	vperm.xlane v31, v1;
	v38 =	vperm.xlane v31, v3;
	v35 =	vsel vm4, $0x80000000, v2  }
0x113: {  	v36 =	vperm.xlane v32, v1;
	v37 =	vperm.xlane v32, v3;
	vm4 =	veq.s32 v12, v25;
	(xrf0) =	vmax.scan.msk.u32 $0xffff, v35  }
0x114: {  	v25 =	vld [tilespmem:s25+$0xFFFFFFF0];
	vm6 =	veq.s32 v31, v21;
	vm5 =	vne.s32 v31, v38;
	v38 =	vsel vm4, $0x80000000, v2;
	(xrf2) =	vadd.scan.msk.f32 $0xffff, v28  }
0x115: {  	vm10 =	veq.s32 v32, v36;
	vm4 =	vne.s32 v32, v37;
	v28 =	vsel vm6, $0x80000000, v2;
	(xrf0) =	vmax.scan.msk.u32 $0xffff, v38;
	v34, _, _ =	vpop (xrf2)  }
0x116: {  	vm6 =	vmor vm2, vm0;
	vm2 =	vne.s32 v12, v26;
	v35 =	vsel vm10, $0x80000000, v2;
	v21, _, _ =	vpop (xrf0);
	(xrf0) =	vmax.scan.msk.u32 $0xffff, v28  }
0x117: {  	v24 =	vsub.f32 v20, v24;
	vm8 =	vmor vm8, vm0;
	vm7 =	vmor vm7, vm0;
	(xrf0) =	vmax.scan.msk.u32 $0xffff, v35  }
0x118: {  	v17 =	vxor.u32 $0x80000000, v17;
	v20 =	vperm.xlane v34, v23;
	vm10 =	vgt.s32 v22, $0x0;
	v22, _, _ =	vpop (xrf2)  }
0x119: {  	vm11 =	vgt.s32 v17, $0x0;
	(xrf2) =	vadd.scan.msk.f32 $0xffff, v25;
	v23, _, _ =	vpop (xrf0);
	v25 =	vsub.s32 v4, v17;
	v15 =	vperm.xlane v22, v15  }
0x11a: {  	v20 =	vnsel vm11, $0x0, v20;
	v28 =	vadd.s32 $0x7FFFFFFF, v23;
	[tilespmem:v11+s20+$0x0] =	vst.idx.add.f32.msk vm9, v29;
	v35 =	vcvt.s32.f32 v25  }
0x11b: {  	vm11 =	vgt.s32 v28, $0x0;
	v17, _, _ =	vpop (xrf0);
	[tilespmem:v11+s3+$0x0] =	vst.idx.add.f32.msk vm9, v27;
	v11 =	vsub.f32 v34, v20;
	v20 =	vnsel vm10, $0x0, v15  }
0x11c: {  	v25 =	vxor.u32 $0x80000000, v17;
	v27 =	vadd.s32 $0x7FFFFFFF, v17;
	v26 =	vld [tilespmem:s25+$0x20];
	v15 =	vnsel vm11, $0x0, v28;
	(xrf2) =	vadd.scan.msk.f32 $0xffff, v33;
	v17, _, _ =	vpop (xrf0)  }
0x11d: {  	v33 =	vadd.s32 $0x7FFFFFFF, v17;
	vm9 =	vgt.s32 v27, $0x0;
	v29, _, _ =	vpop (xrf0);
	[tilespmem:v10+s3+$0x0] =	vst.idx.add.f32.msk vm8, v30;
	v30 =	vsub.f32 v22, v20  }
.Ltmp3:
0x11e: {  	v28 =	vxor.u32 $0x80000000, v29;
	v29 =	vadd.s32 $0x7FFFFFFF, v29;
	vm10 =	vgt.s32 v33, $0x0;
	v20, _, _ =	vpop (xrf2);
	[tilespmem:v9+s3+$0x0] =	vst.idx.add.f32.msk vm7, v11;
	(pc) =	sbr.rel @p0 .LBB2_9-.Ltmp3, $4  }
0x11f: {  	v22 =	vxor.u32 $0x80000000, v23;
	v27 =	vnsel vm9, $0x0, v27;
	vm11 =	vgt.s32 v29, $0x0;
	[tilespmem:v6+s3+$0x0] =	vst.idx.add.f32.msk vm6, v24;
	v11 =	vmovc v18  }
0x120: {  	v23 =	vnsel vm10, $0x0, v33;
	v18 =	vperm.xlane v20, v27;
	v29 =	vnsel vm11, $0x0, v29;
	[tilespmem:v5+s3+$0x0] =	vst.idx.add.f32.msk vm1, v30  }
0x121: {  	vm9 =	vgt.s32 v25, $0x0;
	v24 =	vsub.s32 v4, v28;
	v27 =	vsub.s32 v4, v22;
	[tilespmem:v10+s20+$0x0] =	vst.idx.add.f32.msk vm8, v14  }
0x122: {  	s24 =	sadd.s32 $0x50, s24;
	s25 =	sadd.s32 $0x50, s25;
	v27 =	vcvt.s32.f32 v27;
	v14 =	vcvt.s32.f32 v24;
	v24 =	vnsel vm9, $0x0, v18;
	v10 =	vmovc v32;
	[tilespmem:v9+s20+$0x0] =	vst.idx.add.f32.msk vm7, v35;
	v9 =	vmovc v31  }
0x123: {  	(xrf2) =	vadd.scan.msk.f32 $0xffff, v19;
	_ =	sdelay $0x1  }
0x124: {  	(xrf2) =	vadd.scan.msk.f32 $0xffff, v26;
	_ =	sdelay $0x1  }
0x125: {  	v18 =	vadd.s32 $0x7FFFFFFF, v21  }
0x126: {  	vm7 =	vne.s32 v7, v16;
	vm3 =	vmmov vm3;
	vm5 =	vmmov vm5  }
0x127: {  	vm12 =	vgt.s32 v28, $0x0;
	vm4 =	vmmov vm4;
	vm3 =	vmor vm3, vm0  }
0x128: {  	v55, _, _ =	vpop (xrf2);
	v58 =	vxor.u32 $0x80000000, v21;
	vm8 =	vgt.s32 v18, $0x0;
	vm4 =	vmor vm4, vm0  }
0x129: {  	[tilespmem:v6+s20+$0x0] =	vst.idx.add.f32.msk vm6, v13;
	vm2 =	vmor vm2, vm0;
	v6 =	vxor.u32 $0x80000000, v17;
	v18 =	vnsel vm8, $0x0, v18;
	v57, _, _ =	vpop (xrf2)  }
0x12a: {  	v56 =	vperm.xlane v55, v29;
	v21 =	vsub.s32 v4, v58;
	v18 =	vperm.xlane v57, v18  }
0x12b: {  	vm13 =	vgt.s32 v58, $0x0;
	vm5 =	vmor vm5, vm0;
	v21 =	vcvt.s32.f32 v21;
	v59, _, _ =	vpop (xrf2)  }
0x12c: {  	[tilespmem:v5+s20+$0x0] =	vst.idx.add.f32.msk vm1, v8;
	vm1 =	vmor vm7, vm0;
	v18 =	vnsel vm13, $0x0, v18;
	v60 =	vperm.xlane v59, v23  }
0x12d: {  	vm14 =	vgt.s32 v6, $0x0;
	v16 =	vnsel vm12, $0x0, v56;
	v5 =	vsub.f32 v57, v18;
	[tilespmem:v11+s20+$0x0] =	vst.idx.add.f32.msk vm3, v21;
	v61, _, _ =	vpop (xrf2)  }
0x12e: {  	v16 =	vsub.f32 v55, v16;
	[tilespmem:v10+s20+$0x0] =	vst.idx.add.f32.msk vm4, v14;
	v15 =	vperm.xlane v61, v15;
	v13 =	vnsel vm14, $0x0, v60  }
0x12f: {  	vm15 =	vgt.s32 v22, $0x0;
	[tilespmem:v11+s3+$0x0] =	vst.idx.add.f32.msk vm3, v5;
	v5 =	vsub.f32 v59, v13  }
0x130: {  	v62 =	vsub.f32 v20, v24;
	s22 =	sadd.s32 $0x1, s22;
	[tilespmem:v10+s3+$0x0] =	vst.idx.add.f32.msk vm4, v16;
	v63 =	vnsel vm15, $0x0, v15  }
0x131: {  	p0 =	sne.s32 s22, $0x5;
	v8 =	vsub.f32 v61, v63;
	[tilespmem:v9+s3+$0x0] =	vst.idx.add.f32.msk vm5, v5;
	v5 =	vsub.s32 v4, v6  }
.Ltmp4:
0x132: {  	v6 =	vsub.s32 v4, v25;
	[tilespmem:v12+s3+$0x0] =	vst.idx.add.f32.msk vm2, v62;
	v5 =	vcvt.s32.f32 v5;
	(pc) =	sbr.rel @p0 .LBB2_8-.Ltmp4, $4  }
0x133: {  	v6 =	vcvt.s32.f32 v6;
	[tilespmem:v7+s3+$0x0] =	vst.idx.add.f32.msk vm1, v8  }
0x134: {  	[tilespmem:v9+s20+$0x0] =	vst.idx.add.f32.msk vm5, v5  }
0x135: {  	[tilespmem:v12+s20+$0x0] =	vst.idx.add.f32.msk vm2, v6  }
0x136: {  	[tilespmem:v7+s20+$0x0] =	vst.idx.add.f32.msk vm1, v27  }
0x137: {  	[hbm4b:s10+s15] =	stream.strided.scatter [tilespmem:s3], [sflag:$0x1], $0xC380, s14, s15, $0x38;
	[tilespmem:$0x1DA00] =	vst v63  }
0x138: {  	s21 =	sadd.s32 $0x1, s21;
	_ =	swait.ge [sflag:s13], $0xC380  }
0x139: {  	p0 =	sne.s32 s21, s12;
	[sflag:s13] =	ssyncset.done $0x0  }
.Ltmp5:
0x13a: {  	[sflag:s13] =	ssyncadd.s32 $0xFFFF3C80;
	(pc) =	sbr.rel @p0 .LBB2_1-.Ltmp5, $4  }
0x13b: {  	[hbm4b:s11+s15] =	stream.strided.scatter [tilespmem:s20], [sflag:$0x1], $0xC380, s14, s15, $0x38;
	[tilespmem:$0x1DA00] =	vst v63  }
0x13c: {  	_ =	swait.ge [sflag:s13], $0xC380  }
0x13d: {  	[sflag:s13] =	ssyncset.done $0x0  }
0x13e: {  	[sflag:s13] =	ssyncadd.s32 $0xFFFF3C80  }
0x13f: {  	_ =	sfence.sel $0x180000  }
0x140: {  	[bflag:$0x0] =	sbarrier.arrive $0xFFFF  }
0x141: {  	p0 =	sne.s32 s1, $0x0;
	_ =	strace $0x90000047  }
0x142: {  	s0 =	sadd.s32 @!p0 $0x100000, s0;
	[bflag:$0x2] =	sbarrier.arrive $0xFFFF  }
0x143: {  	[sflag:s0] =	ssyncadd.tile.s32 @!p0 $0x1;
	_ =	shalt  }
.Lfunc_end2:
_tile_overlayer_lowered:
.L_overlay_start_2:
0x144: {  	(tag) =	ssettag $0x2  }
0x145: {  	s0 =	rddreg [dreg:$0x0];
	s2 =	stileid.u32  }
0x146: {  	s1 =	rddreg [dreg:$0x1];
	p0 =	sne.s32 s2, $0x0  }
0x147: {  	s3 =	rddreg [dreg:$0x2];
	[bflag:$0x3] =	sbarrier.arrive $0xFFFF;
	s2 =	simm.s32 @!p0 $0x1C01  }
0x148: {  	[timem:s3], [sflag:s2] =	dma.local @!p0 [hbm:s0], s1  }
0x149: {  	s0 =	simm.s32 @!p0 $0x1  }
0x14a: {  	_ =	swait.ge @!p0 [sflag:s0], s1  }
0x14b: {  	s1 =	ssub.s32 @!p0 $0x0, s1;
	[sflag:s0] =	ssyncset.done @!p0 $0x0  }
0x14c: {  	[sflag:s0] =	ssyncadd.s32 @!p0 s1  }
0x14d: {  	[bflag:$0x3] =	sbarrier.arrive $0xFFFF  }
0x14e: {  	_ =	shalt  }

</sc_bundles>
